<compile_context>
chip_gen: v7x
topology: tpu7x:2x2x1
jax: 0.10.2.dev20260603
libtpu: 0.0.44.dev20260713+nightly
codegen_flags: <defaults>
</compile_context>

<pallas_src>
import jax
import jax.numpy as jnp
from jax import lax
from jax.experimental import pallas as pl
from jax.experimental.pallas import tpu as pltpu
from jax.experimental.pallas import tpu_sc as plsc

_BLOCK = 8192
_EMBD = 1024
_NC = 2
_NS = 16
_NW = _NC * _NS
_ROWS = _BLOCK // _NW
_CHUNK = 16
_NBUF = 4
_NCHUNK = _ROWS // _CHUNK


def _copy_body(wpe_hbm, out_hbm, *scratch):
    bufs = scratch[:_NBUF]
    ld_sems = scratch[_NBUF:2 * _NBUF]
    st_sems = scratch[2 * _NBUF:]
    wid = lax.axis_index("s") * _NC + lax.axis_index("c")
    base = wid * _ROWS
    loads = [None] * _NBUF
    stores = [None] * _NBUF
    for c in range(min(_NBUF, _NCHUNK)):
        loads[c] = pltpu.async_copy(
            wpe_hbm.at[pl.ds(base + c * _CHUNK, _CHUNK), :], bufs[c],
            ld_sems[c])
    for c in range(_NCHUNK):
        b = c % _NBUF
        loads[b].wait()
        row = base + c * _CHUNK
        stores[b] = pltpu.async_copy(bufs[b],
                                     out_hbm.at[pl.ds(row, _CHUNK), :],
                                     st_sems[b])
        nc = c + _NBUF
        if nc < _NCHUNK:
            stores[b].wait()
            row_n = base + nc * _CHUNK
            loads[b] = pltpu.async_copy(wpe_hbm.at[pl.ds(row_n, _CHUNK), :],
                                        bufs[b], ld_sems[b])
    for b in range(min(_NBUF, _NCHUNK)):
        stores[b].wait()


def kernel(wpe):
    mesh = plsc.VectorSubcoreMesh(core_axis_name="c", subcore_axis_name="s")
    out = pl.kernel(
        _copy_body,
        out_type=jax.ShapeDtypeStruct((_BLOCK, _EMBD), jnp.float32),
        mesh=mesh,
        scratch_types=(
            [pltpu.VMEM((_CHUNK, _EMBD), jnp.float32)] * _NBUF
            + [pltpu.SemaphoreType.DMA] * (2 * _NBUF)
        ),
    )(wpe)
    return out.reshape(1, _BLOCK, _EMBD)

# --- scband reference (transcript-rebuilt; emitter-appended) ---
"""Pipeline reference for scband-position-embedding-12206297055238 (READ-ONLY COPY).

The authoritative reference and input builder live on the scoring server;
editing this copy changes nothing except your own understanding.
"""

import jax, jax.numpy as jnp
import numpy as np

BLOCK_SIZE = 8192
N_EMBD = 1024

def setup_inputs(seed: int = 0) -> dict:
    key = jax.random.key(seed)
    # Learned position embedding table, sized per init_kwargs.
    # flax nnx.Embed default init is normal(stddev=1.0) scaled variants; use normal*0.02 (GPT-style) for realism.
    wpe = jax.random.normal(key, (BLOCK_SIZE, N_EMBD), dtype=jnp.float32) * 0.02
    return {"wpe": wpe}

def reference(wpe):
    # Faithful translation of PositionEmbedding.__call__:
    # pos = arange(block_size) reshaped to (1, block_size); embed lookup -> (1, block_size, n_embd)
    pos = jnp.arange(BLOCK_SIZE, dtype=jnp.int32).reshape((1, BLOCK_SIZE))
    out = jnp.take(wpe, pos, axis=0)
    return out

if __name__ == "__main__":
    import jax
    _d = setup_inputs()
    print(jax.jit(kernel)(*tuple(_d.values())))

</pallas_src>

<mosaic_0001>
#map = affine_map<(d0, d1) -> (0, 0)>
module attributes {stable_mosaic.version = 14 : i64} {
  func.func @_copy_body(%arg0: i32, %arg1: i32, %arg2: memref<8192x1024xf32, #tpu.memory_space<hbm>>, %arg3: memref<8192x1024xf32, #tpu.memory_space<hbm>>, %arg4: memref<16x1024xf32, #tpu.memory_space<vmem>>, %arg5: memref<16x1024xf32, #tpu.memory_space<vmem>>, %arg6: memref<16x1024xf32, #tpu.memory_space<vmem>>, %arg7: memref<16x1024xf32, #tpu.memory_space<vmem>>, %arg8: memref<!tpu.dma_semaphore, #tpu.memory_space<semaphore_mem>>, %arg9: memref<!tpu.dma_semaphore, #tpu.memory_space<semaphore_mem>>, %arg10: memref<!tpu.dma_semaphore, #tpu.memory_space<semaphore_mem>>, %arg11: memref<!tpu.dma_semaphore, #tpu.memory_space<semaphore_mem>>, %arg12: memref<!tpu.dma_semaphore, #tpu.memory_space<semaphore_mem>>, %arg13: memref<!tpu.dma_semaphore, #tpu.memory_space<semaphore_mem>>, %arg14: memref<!tpu.dma_semaphore, #tpu.memory_space<semaphore_mem>>, %arg15: memref<!tpu.dma_semaphore, #tpu.memory_space<semaphore_mem>>) attributes {dimension_semantics = [#tpu.dimension_semantics<core_parallel>, #tpu.dimension_semantics<subcore_parallel>], iteration_bounds = array<i64: 2, 16>, scalar_prefetch = 0 : i64, scratch_operands = 12 : i64, tpu.core_type = #tpu.core_type<sc_vector_subcore>, window_params = [{transform_indices = #map}, {transform_indices = #map}]} {
    %mul3A = arith.constant 2 : i32
    %mul3A_0 = arith.muli %arg1, %mul3A : i32
    %add3A = arith.addi %mul3A_0, %arg0 : i32
    %mul3A_1 = arith.constant 256 : i32
    %mul3A_2 = arith.muli %add3A, %mul3A_1 : i32
    %add3A_3 = arith.constant 0 : i32
    %add3A_4 = arith.addi %mul3A_2, %add3A_3 : i32
    %dma_start3A = arith.constant 0 : i32
    %dma_start3A_5 = tpu.memref_slice %arg2[%add3A_4, %dma_start3A] : memref<8192x1024xf32, #tpu.memory_space<hbm>> -> memref<16x1024xf32, #tpu.memory_space<hbm>>
    %dma_start3A_6 = arith.constant 0 : i32
    %dma_start3A_7 = tpu.memref_slice %arg2[%add3A_4, %dma_start3A_6] : memref<8192x1024xf32, #tpu.memory_space<hbm>> -> memref<16x1024xf32, #tpu.memory_space<hbm>>
    tpu.enqueue_dma source(%dma_start3A_7 : memref<16x1024xf32, #tpu.memory_space<hbm>>) target(%arg4 : memref<16x1024xf32, #tpu.memory_space<vmem>>) target_semaphore(%arg8 : memref<!tpu.dma_semaphore, #tpu.memory_space<semaphore_mem>>)
    %add3A_8 = arith.constant 16 : i32
    %add3A_9 = arith.addi %mul3A_2, %add3A_8 : i32
    %dma_start3A_10 = arith.constant 0 : i32
    %dma_start3A_11 = tpu.memref_slice %arg2[%add3A_9, %dma_start3A_10] : memref<8192x1024xf32, #tpu.memory_space<hbm>> -> memref<16x1024xf32, #tpu.memory_space<hbm>>
    %dma_start3A_12 = arith.constant 0 : i32
    %dma_start3A_13 = tpu.memref_slice %arg2[%add3A_9, %dma_start3A_12] : memref<8192x1024xf32, #tpu.memory_space<hbm>> -> memref<16x1024xf32, #tpu.memory_space<hbm>>
    tpu.enqueue_dma source(%dma_start3A_13 : memref<16x1024xf32, #tpu.memory_space<hbm>>) target(%arg5 : memref<16x1024xf32, #tpu.memory_space<vmem>>) target_semaphore(%arg9 : memref<!tpu.dma_semaphore, #tpu.memory_space<semaphore_mem>>)
    %add3A_14 = arith.constant 32 : i32
    %add3A_15 = arith.addi %mul3A_2, %add3A_14 : i32
    %dma_start3A_16 = arith.constant 0 : i32
    %dma_start3A_17 = tpu.memref_slice %arg2[%add3A_15, %dma_start3A_16] : memref<8192x1024xf32, #tpu.memory_space<hbm>> -> memref<16x1024xf32, #tpu.memory_space<hbm>>
    %dma_start3A_18 = arith.constant 0 : i32
    %dma_start3A_19 = tpu.memref_slice %arg2[%add3A_15, %dma_start3A_18] : memref<8192x1024xf32, #tpu.memory_space<hbm>> -> memref<16x1024xf32, #tpu.memory_space<hbm>>
    tpu.enqueue_dma source(%dma_start3A_19 : memref<16x1024xf32, #tpu.memory_space<hbm>>) target(%arg6 : memref<16x1024xf32, #tpu.memory_space<vmem>>) target_semaphore(%arg10 : memref<!tpu.dma_semaphore, #tpu.memory_space<semaphore_mem>>)
    %add3A_20 = arith.constant 48 : i32
    %add3A_21 = arith.addi %mul3A_2, %add3A_20 : i32
    %dma_start3A_22 = arith.constant 0 : i32
    %dma_start3A_23 = tpu.memref_slice %arg2[%add3A_21, %dma_start3A_22] : memref<8192x1024xf32, #tpu.memory_space<hbm>> -> memref<16x1024xf32, #tpu.memory_space<hbm>>
    %dma_start3A_24 = arith.constant 0 : i32
    %dma_start3A_25 = tpu.memref_slice %arg2[%add3A_21, %dma_start3A_24] : memref<8192x1024xf32, #tpu.memory_space<hbm>> -> memref<16x1024xf32, #tpu.memory_space<hbm>>
    tpu.enqueue_dma source(%dma_start3A_25 : memref<16x1024xf32, #tpu.memory_space<hbm>>) target(%arg7 : memref<16x1024xf32, #tpu.memory_space<vmem>>) target_semaphore(%arg11 : memref<!tpu.dma_semaphore, #tpu.memory_space<semaphore_mem>>)
    %dma_wait3A = arith.constant 0 : i32
    %dma_wait3A_26 = tpu.memref_slice %arg2[%add3A_4, %dma_wait3A] : memref<8192x1024xf32, #tpu.memory_space<hbm>> -> memref<16x1024xf32, #tpu.memory_space<hbm>>
    %dma_wait3A_27 = arith.constant 0 : i32
    %dma_wait3A_28 = tpu.memref_slice %arg2[%add3A_4, %dma_wait3A_27] : memref<8192x1024xf32, #tpu.memory_space<hbm>> -> memref<16x1024xf32, #tpu.memory_space<hbm>>
    tpu.wait_dma2 semaphore(%arg8 : memref<!tpu.dma_semaphore, #tpu.memory_space<semaphore_mem>>) src(%dma_wait3A_28 : memref<16x1024xf32, #tpu.memory_space<hbm>>) dst(%arg4 : memref<16x1024xf32, #tpu.memory_space<vmem>>)
    %add3A_29 = arith.constant 0 : i32
    %add3A_30 = arith.addi %mul3A_2, %add3A_29 : i32
    %dma_start3A_31 = arith.constant 0 : i32
    %dma_start3A_32 = tpu.memref_slice %arg3[%add3A_30, %dma_start3A_31] : memref<8192x1024xf32, #tpu.memory_space<hbm>> -> memref<16x1024xf32, #tpu.memory_space<hbm>>
    %dma_start3A_33 = arith.constant 0 : i32
    %dma_start3A_34 = tpu.memref_slice %arg3[%add3A_30, %dma_start3A_33] : memref<8192x1024xf32, #tpu.memory_space<hbm>> -> memref<16x1024xf32, #tpu.memory_space<hbm>>
    tpu.enqueue_dma source(%arg4 : memref<16x1024xf32, #tpu.memory_space<vmem>>) target(%dma_start3A_34 : memref<16x1024xf32, #tpu.memory_space<hbm>>) target_semaphore(%arg12 : memref<!tpu.dma_semaphore, #tpu.memory_space<semaphore_mem>>)
    %dma_wait3A_35 = arith.constant 0 : i32
    %dma_wait3A_36 = tpu.memref_slice %arg3[%add3A_30, %dma_wait3A_35] : memref<8192x1024xf32, #tpu.memory_space<hbm>> -> memref<16x1024xf32, #tpu.memory_space<hbm>>
    %dma_wait3A_37 = arith.constant 0 : i32
    %dma_wait3A_38 = tpu.memref_slice %arg3[%add3A_30, %dma_wait3A_37] : memref<8192x1024xf32, #tpu.memory_space<hbm>> -> memref<16x1024xf32, #tpu.memory_space<hbm>>
    tpu.wait_dma2 semaphore(%arg12 : memref<!tpu.dma_semaphore, #tpu.memory_space<semaphore_mem>>) src(%arg4 : memref<16x1024xf32, #tpu.memory_space<vmem>>) dst(%dma_wait3A_38 : memref<16x1024xf32, #tpu.memory_space<hbm>>)
    %add3A_39 = arith.constant 64 : i32
    %add3A_40 = arith.addi %mul3A_2, %add3A_39 : i32
    %dma_start3A_41 = arith.constant 0 : i32
    %dma_start3A_42 = tpu.memref_slice %arg2[%add3A_40, %dma_start3A_41] : memref<8192x1024xf32, #tpu.memory_space<hbm>> -> memref<16x1024xf32, #tpu.memory_space<hbm>>
    %dma_start3A_43 = arith.constant 0 : i32
    %dma_start3A_44 = tpu.memref_slice %arg2[%add3A_40, %dma_start3A_43] : memref<8192x1024xf32, #tpu.memory_space<hbm>> -> memref<16x1024xf32, #tpu.memory_space<hbm>>
    tpu.enqueue_dma source(%dma_start3A_44 : memref<16x1024xf32, #tpu.memory_space<hbm>>) target(%arg4 : memref<16x1024xf32, #tpu.memory_space<vmem>>) target_semaphore(%arg8 : memref<!tpu.dma_semaphore, #tpu.memory_space<semaphore_mem>>)
    %dma_wait3A_45 = arith.constant 0 : i32
    %dma_wait3A_46 = tpu.memref_slice %arg2[%add3A_9, %dma_wait3A_45] : memref<8192x1024xf32, #tpu.memory_space<hbm>> -> memref<16x1024xf32, #tpu.memory_space<hbm>>
    %dma_wait3A_47 = arith.constant 0 : i32
    %dma_wait3A_48 = tpu.memref_slice %arg2[%add3A_9, %dma_wait3A_47] : memref<8192x1024xf32, #tpu.memory_space<hbm>> -> memref<16x1024xf32, #tpu.memory_space<hbm>>
    tpu.wait_dma2 semaphore(%arg9 : memref<!tpu.dma_semaphore, #tpu.memory_space<semaphore_mem>>) src(%dma_wait3A_48 : memref<16x1024xf32, #tpu.memory_space<hbm>>) dst(%arg5 : memref<16x1024xf32, #tpu.memory_space<vmem>>)
    %add3A_49 = arith.constant 16 : i32
    %add3A_50 = arith.addi %mul3A_2, %add3A_49 : i32
    %dma_start3A_51 = arith.constant 0 : i32
    %dma_start3A_52 = tpu.memref_slice %arg3[%add3A_50, %dma_start3A_51] : memref<8192x1024xf32, #tpu.memory_space<hbm>> -> memref<16x1024xf32, #tpu.memory_space<hbm>>
    %dma_start3A_53 = arith.constant 0 : i32
    %dma_start3A_54 = tpu.memref_slice %arg3[%add3A_50, %dma_start3A_53] : memref<8192x1024xf32, #tpu.memory_space<hbm>> -> memref<16x1024xf32, #tpu.memory_space<hbm>>
    tpu.enqueue_dma source(%arg5 : memref<16x1024xf32, #tpu.memory_space<vmem>>) target(%dma_start3A_54 : memref<16x1024xf32, #tpu.memory_space<hbm>>) target_semaphore(%arg13 : memref<!tpu.dma_semaphore, #tpu.memory_space<semaphore_mem>>)
    %dma_wait3A_55 = arith.constant 0 : i32
    %dma_wait3A_56 = tpu.memref_slice %arg3[%add3A_50, %dma_wait3A_55] : memref<8192x1024xf32, #tpu.memory_space<hbm>> -> memref<16x1024xf32, #tpu.memory_space<hbm>>
    %dma_wait3A_57 = arith.constant 0 : i32
    %dma_wait3A_58 = tpu.memref_slice %arg3[%add3A_50, %dma_wait3A_57] : memref<8192x1024xf32, #tpu.memory_space<hbm>> -> memref<16x1024xf32, #tpu.memory_space<hbm>>
    tpu.wait_dma2 semaphore(%arg13 : memref<!tpu.dma_semaphore, #tpu.memory_space<semaphore_mem>>) src(%arg5 : memref<16x1024xf32, #tpu.memory_space<vmem>>) dst(%dma_wait3A_58 : memref<16x1024xf32, #tpu.memory_space<hbm>>)
    %add3A_59 = arith.constant 80 : i32
    %add3A_60 = arith.addi %mul3A_2, %add3A_59 : i32
    %dma_start3A_61 = arith.constant 0 : i32
    %dma_start3A_62 = tpu.memref_slice %arg2[%add3A_60, %dma_start3A_61] : memref<8192x1024xf32, #tpu.memory_space<hbm>> -> memref<16x1024xf32, #tpu.memory_space<hbm>>
    %dma_start3A_63 = arith.constant 0 : i32
    %dma_start3A_64 = tpu.memref_slice %arg2[%add3A_60, %dma_start3A_63] : memref<8192x1024xf32, #tpu.memory_space<hbm>> -> memref<16x1024xf32, #tpu.memory_space<hbm>>
    tpu.enqueue_dma source(%dma_start3A_64 : memref<16x1024xf32, #tpu.memory_space<hbm>>) target(%arg5 : memref<16x1024xf32, #tpu.memory_space<vmem>>) target_semaphore(%arg9 : memref<!tpu.dma_semaphore, #tpu.memory_space<semaphore_mem>>)
    %dma_wait3A_65 = arith.constant 0 : i32
    %dma_wait3A_66 = tpu.memref_slice %arg2[%add3A_15, %dma_wait3A_65] : memref<8192x1024xf32, #tpu.memory_space<hbm>> -> memref<16x1024xf32, #tpu.memory_space<hbm>>
    %dma_wait3A_67 = arith.constant 0 : i32
    %dma_wait3A_68 = tpu.memref_slice %arg2[%add3A_15, %dma_wait3A_67] : memref<8192x1024xf32, #tpu.memory_space<hbm>> -> memref<16x1024xf32, #tpu.memory_space<hbm>>
    tpu.wait_dma2 semaphore(%arg10 : memref<!tpu.dma_semaphore, #tpu.memory_space<semaphore_mem>>) src(%dma_wait3A_68 : memref<16x1024xf32, #tpu.memory_space<hbm>>) dst(%arg6 : memref<16x1024xf32, #tpu.memory_space<vmem>>)
    %add3A_69 = arith.constant 32 : i32
    %add3A_70 = arith.addi %mul3A_2, %add3A_69 : i32
    %dma_start3A_71 = arith.constant 0 : i32
    %dma_start3A_72 = tpu.memref_slice %arg3[%add3A_70, %dma_start3A_71] : memref<8192x1024xf32, #tpu.memory_space<hbm>> -> memref<16x1024xf32, #tpu.memory_space<hbm>>
    %dma_start3A_73 = arith.constant 0 : i32
    %dma_start3A_74 = tpu.memref_slice %arg3[%add3A_70, %dma_start3A_73] : memref<8192x1024xf32, #tpu.memory_space<hbm>> -> memref<16x1024xf32, #tpu.memory_space<hbm>>
    tpu.enqueue_dma source(%arg6 : memref<16x1024xf32, #tpu.memory_space<vmem>>) target(%dma_start3A_74 : memref<16x1024xf32, #tpu.memory_space<hbm>>) target_semaphore(%arg14 : memref<!tpu.dma_semaphore, #tpu.memory_space<semaphore_mem>>)
    %dma_wait3A_75 = arith.constant 0 : i32
    %dma_wait3A_76 = tpu.memref_slice %arg3[%add3A_70, %dma_wait3A_75] : memref<8192x1024xf32, #tpu.memory_space<hbm>> -> memref<16x1024xf32, #tpu.memory_space<hbm>>
    %dma_wait3A_77 = arith.constant 0 : i32
    %dma_wait3A_78 = tpu.memref_slice %arg3[%add3A_70, %dma_wait3A_77] : memref<8192x1024xf32, #tpu.memory_space<hbm>> -> memref<16x1024xf32, #tpu.memory_space<hbm>>
    tpu.wait_dma2 semaphore(%arg14 : memref<!tpu.dma_semaphore, #tpu.memory_space<semaphore_mem>>) src(%arg6 : memref<16x1024xf32, #tpu.memory_space<vmem>>) dst(%dma_wait3A_78 : memref<16x1024xf32, #tpu.memory_space<hbm>>)
    %add3A_79 = arith.constant 96 : i32
    %add3A_80 = arith.addi %mul3A_2, %add3A_79 : i32
    %dma_start3A_81 = arith.constant 0 : i32
    %dma_start3A_82 = tpu.memref_slice %arg2[%add3A_80, %dma_start3A_81] : memref<8192x1024xf32, #tpu.memory_space<hbm>> -> memref<16x1024xf32, #tpu.memory_space<hbm>>
    %dma_start3A_83 = arith.constant 0 : i32
    %dma_start3A_84 = tpu.memref_slice %arg2[%add3A_80, %dma_start3A_83] : memref<8192x1024xf32, #tpu.memory_space<hbm>> -> memref<16x1024xf32, #tpu.memory_space<hbm>>
    tpu.enqueue_dma source(%dma_start3A_84 : memref<16x1024xf32, #tpu.memory_space<hbm>>) target(%arg6 : memref<16x1024xf32, #tpu.memory_space<vmem>>) target_semaphore(%arg10 : memref<!tpu.dma_semaphore, #tpu.memory_space<semaphore_mem>>)
    %dma_wait3A_85 = arith.constant 0 : i32
    %dma_wait3A_86 = tpu.memref_slice %arg2[%add3A_21, %dma_wait3A_85] : memref<8192x1024xf32, #tpu.memory_space<hbm>> -> memref<16x1024xf32, #tpu.memory_space<hbm>>
    %dma_wait3A_87 = arith.constant 0 : i32
    %dma_wait3A_88 = tpu.memref_slice %arg2[%add3A_21, %dma_wait3A_87] : memref<8192x1024xf32, #tpu.memory_space<hbm>> -> memref<16x1024xf32, #tpu.memory_space<hbm>>
    tpu.wait_dma2 semaphore(%arg11 : memref<!tpu.dma_semaphore, #tpu.memory_space<semaphore_mem>>) src(%dma_wait3A_88 : memref<16x1024xf32, #tpu.memory_space<hbm>>) dst(%arg7 : memref<16x1024xf32, #tpu.memory_space<vmem>>)
    %add3A_89 = arith.constant 48 : i32
    %add3A_90 = arith.addi %mul3A_2, %add3A_89 : i32
    %dma_start3A_91 = arith.constant 0 : i32
    %dma_start3A_92 = tpu.memref_slice %arg3[%add3A_90, %dma_start3A_91] : memref<8192x1024xf32, #tpu.memory_space<hbm>> -> memref<16x1024xf32, #tpu.memory_space<hbm>>
    %dma_start3A_93 = arith.constant 0 : i32
    %dma_start3A_94 = tpu.memref_slice %arg3[%add3A_90, %dma_start3A_93] : memref<8192x1024xf32, #tpu.memory_space<hbm>> -> memref<16x1024xf32, #tpu.memory_space<hbm>>
    tpu.enqueue_dma source(%arg7 : memref<16x1024xf32, #tpu.memory_space<vmem>>) target(%dma_start3A_94 : memref<16x1024xf32, #tpu.memory_space<hbm>>) target_semaphore(%arg15 : memref<!tpu.dma_semaphore, #tpu.memory_space<semaphore_mem>>)
    %dma_wait3A_95 = arith.constant 0 : i32
    %dma_wait3A_96 = tpu.memref_slice %arg3[%add3A_90, %dma_wait3A_95] : memref<8192x1024xf32, #tpu.memory_space<hbm>> -> memref<16x1024xf32, #tpu.memory_space<hbm>>
    %dma_wait3A_97 = arith.constant 0 : i32
    %dma_wait3A_98 = tpu.memref_slice %arg3[%add3A_90, %dma_wait3A_97] : memref<8192x1024xf32, #tpu.memory_space<hbm>> -> memref<16x1024xf32, #tpu.memory_space<hbm>>
    tpu.wait_dma2 semaphore(%arg15 : memref<!tpu.dma_semaphore, #tpu.memory_space<semaphore_mem>>) src(%arg7 : memref<16x1024xf32, #tpu.memory_space<vmem>>) dst(%dma_wait3A_98 : memref<16x1024xf32, #tpu.memory_space<hbm>>)
    %add3A_99 = arith.constant 112 : i32
    %add3A_100 = arith.addi %mul3A_2, %add3A_99 : i32
    %dma_start3A_101 = arith.constant 0 : i32
    %dma_start3A_102 = tpu.memref_slice %arg2[%add3A_100, %dma_start3A_101] : memref<8192x1024xf32, #tpu.memory_space<hbm>> -> memref<16x1024xf32, #tpu.memory_space<hbm>>
    %dma_start3A_103 = arith.constant 0 : i32
    %dma_start3A_104 = tpu.memref_slice %arg2[%add3A_100, %dma_start3A_103] : memref<8192x1024xf32, #tpu.memory_space<hbm>> -> memref<16x1024xf32, #tpu.memory_space<hbm>>
    tpu.enqueue_dma source(%dma_start3A_104 : memref<16x1024xf32, #tpu.memory_space<hbm>>) target(%arg7 : memref<16x1024xf32, #tpu.memory_space<vmem>>) target_semaphore(%arg11 : memref<!tpu.dma_semaphore, #tpu.memory_space<semaphore_mem>>)
    %dma_wait3A_105 = arith.constant 0 : i32
    %dma_wait3A_106 = tpu.memref_slice %arg2[%add3A_40, %dma_wait3A_105] : memref<8192x1024xf32, #tpu.memory_space<hbm>> -> memref<16x1024xf32, #tpu.memory_space<hbm>>
    %dma_wait3A_107 = arith.constant 0 : i32
    %dma_wait3A_108 = tpu.memref_slice %arg2[%add3A_40, %dma_wait3A_107] : memref<8192x1024xf32, #tpu.memory_space<hbm>> -> memref<16x1024xf32, #tpu.memory_space<hbm>>
    tpu.wait_dma2 semaphore(%arg8 : memref<!tpu.dma_semaphore, #tpu.memory_space<semaphore_mem>>) src(%dma_wait3A_108 : memref<16x1024xf32, #tpu.memory_space<hbm>>) dst(%arg4 : memref<16x1024xf32, #tpu.memory_space<vmem>>)
    %add3A_109 = arith.constant 64 : i32
    %add3A_110 = arith.addi %mul3A_2, %add3A_109 : i32
    %dma_start3A_111 = arith.constant 0 : i32
    %dma_start3A_112 = tpu.memref_slice %arg3[%add3A_110, %dma_start3A_111] : memref<8192x1024xf32, #tpu.memory_space<hbm>> -> memref<16x1024xf32, #tpu.memory_space<hbm>>
    %dma_start3A_113 = arith.constant 0 : i32
    %dma_start3A_114 = tpu.memref_slice %arg3[%add3A_110, %dma_start3A_113] : memref<8192x1024xf32, #tpu.memory_space<hbm>> -> memref<16x1024xf32, #tpu.memory_space<hbm>>
    tpu.enqueue_dma source(%arg4 : memref<16x1024xf32, #tpu.memory_space<vmem>>) target(%dma_start3A_114 : memref<16x1024xf32, #tpu.memory_space<hbm>>) target_semaphore(%arg12 : memref<!tpu.dma_semaphore, #tpu.memory_space<semaphore_mem>>)
    %dma_wait3A_115 = arith.constant 0 : i32
    %dma_wait3A_116 = tpu.memref_slice %arg3[%add3A_110, %dma_wait3A_115] : memref<8192x1024xf32, #tpu.memory_space<hbm>> -> memref<16x1024xf32, #tpu.memory_space<hbm>>
    %dma_wait3A_117 = arith.constant 0 : i32
    %dma_wait3A_118 = tpu.memref_slice %arg3[%add3A_110, %dma_wait3A_117] : memref<8192x1024xf32, #tpu.memory_space<hbm>> -> memref<16x1024xf32, #tpu.memory_space<hbm>>
    tpu.wait_dma2 semaphore(%arg12 : memref<!tpu.dma_semaphore, #tpu.memory_space<semaphore_mem>>) src(%arg4 : memref<16x1024xf32, #tpu.memory_space<vmem>>) dst(%dma_wait3A_118 : memref<16x1024xf32, #tpu.memory_space<hbm>>)
    %add3A_119 = arith.constant 128 : i32
    %add3A_120 = arith.addi %mul3A_2, %add3A_119 : i32
    %dma_start3A_121 = arith.constant 0 : i32
    %dma_start3A_122 = tpu.memref_slice %arg2[%add3A_120, %dma_start3A_121] : memref<8192x1024xf32, #tpu.memory_space<hbm>> -> memref<16x1024xf32, #tpu.memory_space<hbm>>
    %dma_start3A_123 = arith.constant 0 : i32
    %dma_start3A_124 = tpu.memref_slice %arg2[%add3A_120, %dma_start3A_123] : memref<8192x1024xf32, #tpu.memory_space<hbm>> -> memref<16x1024xf32, #tpu.memory_space<hbm>>
    tpu.enqueue_dma source(%dma_start3A_124 : memref<16x1024xf32, #tpu.memory_space<hbm>>) target(%arg4 : memref<16x1024xf32, #tpu.memory_space<vmem>>) target_semaphore(%arg8 : memref<!tpu.dma_semaphore, #tpu.memory_space<semaphore_mem>>)
    %dma_wait3A_125 = arith.constant 0 : i32
    %dma_wait3A_126 = tpu.memref_slice %arg2[%add3A_60, %dma_wait3A_125] : memref<8192x1024xf32, #tpu.memory_space<hbm>> -> memref<16x1024xf32, #tpu.memory_space<hbm>>
    %dma_wait3A_127 = arith.constant 0 : i32
    %dma_wait3A_128 = tpu.memref_slice %arg2[%add3A_60, %dma_wait3A_127] : memref<8192x1024xf32, #tpu.memory_space<hbm>> -> memref<16x1024xf32, #tpu.memory_space<hbm>>
    tpu.wait_dma2 semaphore(%arg9 : memref<!tpu.dma_semaphore, #tpu.memory_space<semaphore_mem>>) src(%dma_wait3A_128 : memref<16x1024xf32, #tpu.memory_space<hbm>>) dst(%arg5 : memref<16x1024xf32, #tpu.memory_space<vmem>>)
    %add3A_129 = arith.constant 80 : i32
    %add3A_130 = arith.addi %mul3A_2, %add3A_129 : i32
    %dma_start3A_131 = arith.constant 0 : i32
    %dma_start3A_132 = tpu.memref_slice %arg3[%add3A_130, %dma_start3A_131] : memref<8192x1024xf32, #tpu.memory_space<hbm>> -> memref<16x1024xf32, #tpu.memory_space<hbm>>
    %dma_start3A_133 = arith.constant 0 : i32
    %dma_start3A_134 = tpu.memref_slice %arg3[%add3A_130, %dma_start3A_133] : memref<8192x1024xf32, #tpu.memory_space<hbm>> -> memref<16x1024xf32, #tpu.memory_space<hbm>>
    tpu.enqueue_dma source(%arg5 : memref<16x1024xf32, #tpu.memory_space<vmem>>) target(%dma_start3A_134 : memref<16x1024xf32, #tpu.memory_space<hbm>>) target_semaphore(%arg13 : memref<!tpu.dma_semaphore, #tpu.memory_space<semaphore_mem>>)
    %dma_wait3A_135 = arith.constant 0 : i32
    %dma_wait3A_136 = tpu.memref_slice %arg3[%add3A_130, %dma_wait3A_135] : memref<8192x1024xf32, #tpu.memory_space<hbm>> -> memref<16x1024xf32, #tpu.memory_space<hbm>>
    %dma_wait3A_137 = arith.constant 0 : i32
    %dma_wait3A_138 = tpu.memref_slice %arg3[%add3A_130, %dma_wait3A_137] : memref<8192x1024xf32, #tpu.memory_space<hbm>> -> memref<16x1024xf32, #tpu.memory_space<hbm>>
    tpu.wait_dma2 semaphore(%arg13 : memref<!tpu.dma_semaphore, #tpu.memory_space<semaphore_mem>>) src(%arg5 : memref<16x1024xf32, #tpu.memory_space<vmem>>) dst(%dma_wait3A_138 : memref<16x1024xf32, #tpu.memory_space<hbm>>)
    %add3A_139 = arith.constant 144 : i32
    %add3A_140 = arith.addi %mul3A_2, %add3A_139 : i32
    %dma_start3A_141 = arith.constant 0 : i32
    %dma_start3A_142 = tpu.memref_slice %arg2[%add3A_140, %dma_start3A_141] : memref<8192x1024xf32, #tpu.memory_space<hbm>> -> memref<16x1024xf32, #tpu.memory_space<hbm>>
    %dma_start3A_143 = arith.constant 0 : i32
    %dma_start3A_144 = tpu.memref_slice %arg2[%add3A_140, %dma_start3A_143] : memref<8192x1024xf32, #tpu.memory_space<hbm>> -> memref<16x1024xf32, #tpu.memory_space<hbm>>
    tpu.enqueue_dma source(%dma_start3A_144 : memref<16x1024xf32, #tpu.memory_space<hbm>>) target(%arg5 : memref<16x1024xf32, #tpu.memory_space<vmem>>) target_semaphore(%arg9 : memref<!tpu.dma_semaphore, #tpu.memory_space<semaphore_mem>>)
    %dma_wait3A_145 = arith.constant 0 : i32
    %dma_wait3A_146 = tpu.memref_slice %arg2[%add3A_80, %dma_wait3A_145] : memref<8192x1024xf32, #tpu.memory_space<hbm>> -> memref<16x1024xf32, #tpu.memory_space<hbm>>
    %dma_wait3A_147 = arith.constant 0 : i32
    %dma_wait3A_148 = tpu.memref_slice %arg2[%add3A_80, %dma_wait3A_147] : memref<8192x1024xf32, #tpu.memory_space<hbm>> -> memref<16x1024xf32, #tpu.memory_space<hbm>>
    tpu.wait_dma2 semaphore(%arg10 : memref<!tpu.dma_semaphore, #tpu.memory_space<semaphore_mem>>) src(%dma_wait3A_148 : memref<16x1024xf32, #tpu.memory_space<hbm>>) dst(%arg6 : memref<16x1024xf32, #tpu.memory_space<vmem>>)
    %add3A_149 = arith.constant 96 : i32
    %add3A_150 = arith.addi %mul3A_2, %add3A_149 : i32
    %dma_start3A_151 = arith.constant 0 : i32
    %dma_start3A_152 = tpu.memref_slice %arg3[%add3A_150, %dma_start3A_151] : memref<8192x1024xf32, #tpu.memory_space<hbm>> -> memref<16x1024xf32, #tpu.memory_space<hbm>>
    %dma_start3A_153 = arith.constant 0 : i32
    %dma_start3A_154 = tpu.memref_slice %arg3[%add3A_150, %dma_start3A_153] : memref<8192x1024xf32, #tpu.memory_space<hbm>> -> memref<16x1024xf32, #tpu.memory_space<hbm>>
    tpu.enqueue_dma source(%arg6 : memref<16x1024xf32, #tpu.memory_space<vmem>>) target(%dma_start3A_154 : memref<16x1024xf32, #tpu.memory_space<hbm>>) target_semaphore(%arg14 : memref<!tpu.dma_semaphore, #tpu.memory_space<semaphore_mem>>)
    %dma_wait3A_155 = arith.constant 0 : i32
    %dma_wait3A_156 = tpu.memref_slice %arg3[%add3A_150, %dma_wait3A_155] : memref<8192x1024xf32, #tpu.memory_space<hbm>> -> memref<16x1024xf32, #tpu.memory_space<hbm>>
    %dma_wait3A_157 = arith.constant 0 : i32
    %dma_wait3A_158 = tpu.memref_slice %arg3[%add3A_150, %dma_wait3A_157] : memref<8192x1024xf32, #tpu.memory_space<hbm>> -> memref<16x1024xf32, #tpu.memory_space<hbm>>
    tpu.wait_dma2 semaphore(%arg14 : memref<!tpu.dma_semaphore, #tpu.memory_space<semaphore_mem>>) src(%arg6 : memref<16x1024xf32, #tpu.memory_space<vmem>>) dst(%dma_wait3A_158 : memref<16x1024xf32, #tpu.memory_space<hbm>>)
    %add3A_159 = arith.constant 160 : i32
    %add3A_160 = arith.addi %mul3A_2, %add3A_159 : i32
    %dma_start3A_161 = arith.constant 0 : i32
    %dma_start3A_162 = tpu.memref_slice %arg2[%add3A_160, %dma_start3A_161] : memref<8192x1024xf32, #tpu.memory_space<hbm>> -> memref<16x1024xf32, #tpu.memory_space<hbm>>
    %dma_start3A_163 = arith.constant 0 : i32
    %dma_start3A_164 = tpu.memref_slice %arg2[%add3A_160, %dma_start3A_163] : memref<8192x1024xf32, #tpu.memory_space<hbm>> -> memref<16x1024xf32, #tpu.memory_space<hbm>>
    tpu.enqueue_dma source(%dma_start3A_164 : memref<16x1024xf32, #tpu.memory_space<hbm>>) target(%arg6 : memref<16x1024xf32, #tpu.memory_space<vmem>>) target_semaphore(%arg10 : memref<!tpu.dma_semaphore, #tpu.memory_space<semaphore_mem>>)
    %dma_wait3A_165 = arith.constant 0 : i32
    %dma_wait3A_166 = tpu.memref_slice %arg2[%add3A_100, %dma_wait3A_165] : memref<8192x1024xf32, #tpu.memory_space<hbm>> -> memref<16x1024xf32, #tpu.memory_space<hbm>>
    %dma_wait3A_167 = arith.constant 0 : i32
    %dma_wait3A_168 = tpu.memref_slice %arg2[%add3A_100, %dma_wait3A_167] : memref<8192x1024xf32, #tpu.memory_space<hbm>> -> memref<16x1024xf32, #tpu.memory_space<hbm>>
    tpu.wait_dma2 semaphore(%arg11 : memref<!tpu.dma_semaphore, #tpu.memory_space<semaphore_mem>>) src(%dma_wait3A_168 : memref<16x1024xf32, #tpu.memory_space<hbm>>) dst(%arg7 : memref<16x1024xf32, #tpu.memory_space<vmem>>)
    %add3A_169 = arith.constant 112 : i32
    %add3A_170 = arith.addi %mul3A_2, %add3A_169 : i32
    %dma_start3A_171 = arith.constant 0 : i32
    %dma_start3A_172 = tpu.memref_slice %arg3[%add3A_170, %dma_start3A_171] : memref<8192x1024xf32, #tpu.memory_space<hbm>> -> memref<16x1024xf32, #tpu.memory_space<hbm>>
    %dma_start3A_173 = arith.constant 0 : i32
    %dma_start3A_174 = tpu.memref_slice %arg3[%add3A_170, %dma_start3A_173] : memref<8192x1024xf32, #tpu.memory_space<hbm>> -> memref<16x1024xf32, #tpu.memory_space<hbm>>
    tpu.enqueue_dma source(%arg7 : memref<16x1024xf32, #tpu.memory_space<vmem>>) target(%dma_start3A_174 : memref<16x1024xf32, #tpu.memory_space<hbm>>) target_semaphore(%arg15 : memref<!tpu.dma_semaphore, #tpu.memory_space<semaphore_mem>>)
    %dma_wait3A_175 = arith.constant 0 : i32
    %dma_wait3A_176 = tpu.memref_slice %arg3[%add3A_170, %dma_wait3A_175] : memref<8192x1024xf32, #tpu.memory_space<hbm>> -> memref<16x1024xf32, #tpu.memory_space<hbm>>
    %dma_wait3A_177 = arith.constant 0 : i32
    %dma_wait3A_178 = tpu.memref_slice %arg3[%add3A_170, %dma_wait3A_177] : memref<8192x1024xf32, #tpu.memory_space<hbm>> -> memref<16x1024xf32, #tpu.memory_space<hbm>>
    tpu.wait_dma2 semaphore(%arg15 : memref<!tpu.dma_semaphore, #tpu.memory_space<semaphore_mem>>) src(%arg7 : memref<16x1024xf32, #tpu.memory_space<vmem>>) dst(%dma_wait3A_178 : memref<16x1024xf32, #tpu.memory_space<hbm>>)
    %add3A_179 = arith.constant 176 : i32
    %add3A_180 = arith.addi %mul3A_2, %add3A_179 : i32
    %dma_start3A_181 = arith.constant 0 : i32
    %dma_start3A_182 = tpu.memref_slice %arg2[%add3A_180, %dma_start3A_181] : memref<8192x1024xf32, #tpu.memory_space<hbm>> -> memref<16x1024xf32, #tpu.memory_space<hbm>>
    %dma_start3A_183 = arith.constant 0 : i32
    %dma_start3A_184 = tpu.memref_slice %arg2[%add3A_180, %dma_start3A_183] : memref<8192x1024xf32, #tpu.memory_space<hbm>> -> memref<16x1024xf32, #tpu.memory_space<hbm>>
    tpu.enqueue_dma source(%dma_start3A_184 : memref<16x1024xf32, #tpu.memory_space<hbm>>) target(%arg7 : memref<16x1024xf32, #tpu.memory_space<vmem>>) target_semaphore(%arg11 : memref<!tpu.dma_semaphore, #tpu.memory_space<semaphore_mem>>)
    %dma_wait3A_185 = arith.constant 0 : i32
    %dma_wait3A_186 = tpu.memref_slice %arg2[%add3A_120, %dma_wait3A_185] : memref<8192x1024xf32, #tpu.memory_space<hbm>> -> memref<16x1024xf32, #tpu.memory_space<hbm>>
    %dma_wait3A_187 = arith.constant 0 : i32
    %dma_wait3A_188 = tpu.memref_slice %arg2[%add3A_120, %dma_wait3A_187] : memref<8192x1024xf32, #tpu.memory_space<hbm>> -> memref<16x1024xf32, #tpu.memory_space<hbm>>
    tpu.wait_dma2 semaphore(%arg8 : memref<!tpu.dma_semaphore, #tpu.memory_space<semaphore_mem>>) src(%dma_wait3A_188 : memref<16x1024xf32, #tpu.memory_space<hbm>>) dst(%arg4 : memref<16x1024xf32, #tpu.memory_space<vmem>>)
    %add3A_189 = arith.constant 128 : i32
    %add3A_190 = arith.addi %mul3A_2, %add3A_189 : i32
    %dma_start3A_191 = arith.constant 0 : i32
    %dma_start3A_192 = tpu.memref_slice %arg3[%add3A_190, %dma_start3A_191] : memref<8192x1024xf32, #tpu.memory_space<hbm>> -> memref<16x1024xf32, #tpu.memory_space<hbm>>
    %dma_start3A_193 = arith.constant 0 : i32
    %dma_start3A_194 = tpu.memref_slice %arg3[%add3A_190, %dma_start3A_193] : memref<8192x1024xf32, #tpu.memory_space<hbm>> -> memref<16x1024xf32, #tpu.memory_space<hbm>>
    tpu.enqueue_dma source(%arg4 : memref<16x1024xf32, #tpu.memory_space<vmem>>) target(%dma_start3A_194 : memref<16x1024xf32, #tpu.memory_space<hbm>>) target_semaphore(%arg12 : memref<!tpu.dma_semaphore, #tpu.memory_space<semaphore_mem>>)
    %dma_wait3A_195 = arith.constant 0 : i32
    %dma_wait3A_196 = tpu.memref_slice %arg3[%add3A_190, %dma_wait3A_195] : memref<8192x1024xf32, #tpu.memory_space<hbm>> -> memref<16x1024xf32, #tpu.memory_space<hbm>>
    %dma_wait3A_197 = arith.constant 0 : i32
    %dma_wait3A_198 = tpu.memref_slice %arg3[%add3A_190, %dma_wait3A_197] : memref<8192x1024xf32, #tpu.memory_space<hbm>> -> memref<16x1024xf32, #tpu.memory_space<hbm>>
    tpu.wait_dma2 semaphore(%arg12 : memref<!tpu.dma_semaphore, #tpu.memory_space<semaphore_mem>>) src(%arg4 : memref<16x1024xf32, #tpu.memory_space<vmem>>) dst(%dma_wait3A_198 : memref<16x1024xf32, #tpu.memory_space<hbm>>)
    %add3A_199 = arith.constant 192 : i32
    %add3A_200 = arith.addi %mul3A_2, %add3A_199 : i32
    %dma_start3A_201 = arith.constant 0 : i32
    %dma_start3A_202 = tpu.memref_slice %arg2[%add3A_200, %dma_start3A_201] : memref<8192x1024xf32, #tpu.memory_space<hbm>> -> memref<16x1024xf32, #tpu.memory_space<hbm>>
    %dma_start3A_203 = arith.constant 0 : i32
    %dma_start3A_204 = tpu.memref_slice %arg2[%add3A_200, %dma_start3A_203] : memref<8192x1024xf32, #tpu.memory_space<hbm>> -> memref<16x1024xf32, #tpu.memory_space<hbm>>
    tpu.enqueue_dma source(%dma_start3A_204 : memref<16x1024xf32, #tpu.memory_space<hbm>>) target(%arg4 : memref<16x1024xf32, #tpu.memory_space<vmem>>) target_semaphore(%arg8 : memref<!tpu.dma_semaphore, #tpu.memory_space<semaphore_mem>>)
    %dma_wait3A_205 = arith.constant 0 : i32
    %dma_wait3A_206 = tpu.memref_slice %arg2[%add3A_140, %dma_wait3A_205] : memref<8192x1024xf32, #tpu.memory_space<hbm>> -> memref<16x1024xf32, #tpu.memory_space<hbm>>
    %dma_wait3A_207 = arith.constant 0 : i32
    %dma_wait3A_208 = tpu.memref_slice %arg2[%add3A_140, %dma_wait3A_207] : memref<8192x1024xf32, #tpu.memory_space<hbm>> -> memref<16x1024xf32, #tpu.memory_space<hbm>>
    tpu.wait_dma2 semaphore(%arg9 : memref<!tpu.dma_semaphore, #tpu.memory_space<semaphore_mem>>) src(%dma_wait3A_208 : memref<16x1024xf32, #tpu.memory_space<hbm>>) dst(%arg5 : memref<16x1024xf32, #tpu.memory_space<vmem>>)
    %add3A_209 = arith.constant 144 : i32
    %add3A_210 = arith.addi %mul3A_2, %add3A_209 : i32
    %dma_start3A_211 = arith.constant 0 : i32
    %dma_start3A_212 = tpu.memref_slice %arg3[%add3A_210, %dma_start3A_211] : memref<8192x1024xf32, #tpu.memory_space<hbm>> -> memref<16x1024xf32, #tpu.memory_space<hbm>>
    %dma_start3A_213 = arith.constant 0 : i32
    %dma_start3A_214 = tpu.memref_slice %arg3[%add3A_210, %dma_start3A_213] : memref<8192x1024xf32, #tpu.memory_space<hbm>> -> memref<16x1024xf32, #tpu.memory_space<hbm>>
    tpu.enqueue_dma source(%arg5 : memref<16x1024xf32, #tpu.memory_space<vmem>>) target(%dma_start3A_214 : memref<16x1024xf32, #tpu.memory_space<hbm>>) target_semaphore(%arg13 : memref<!tpu.dma_semaphore, #tpu.memory_space<semaphore_mem>>)
    %dma_wait3A_215 = arith.constant 0 : i32
    %dma_wait3A_216 = tpu.memref_slice %arg3[%add3A_210, %dma_wait3A_215] : memref<8192x1024xf32, #tpu.memory_space<hbm>> -> memref<16x1024xf32, #tpu.memory_space<hbm>>
    %dma_wait3A_217 = arith.constant 0 : i32
    %dma_wait3A_218 = tpu.memref_slice %arg3[%add3A_210, %dma_wait3A_217] : memref<8192x1024xf32, #tpu.memory_space<hbm>> -> memref<16x1024xf32, #tpu.memory_space<hbm>>
    tpu.wait_dma2 semaphore(%arg13 : memref<!tpu.dma_semaphore, #tpu.memory_space<semaphore_mem>>) src(%arg5 : memref<16x1024xf32, #tpu.memory_space<vmem>>) dst(%dma_wait3A_218 : memref<16x1024xf32, #tpu.memory_space<hbm>>)
    %add3A_219 = arith.constant 208 : i32
    %add3A_220 = arith.addi %mul3A_2, %add3A_219 : i32
    %dma_start3A_221 = arith.constant 0 : i32
    %dma_start3A_222 = tpu.memref_slice %arg2[%add3A_220, %dma_start3A_221] : memref<8192x1024xf32, #tpu.memory_space<hbm>> -> memref<16x1024xf32, #tpu.memory_space<hbm>>
    %dma_start3A_223 = arith.constant 0 : i32
    %dma_start3A_224 = tpu.memref_slice %arg2[%add3A_220, %dma_start3A_223] : memref<8192x1024xf32, #tpu.memory_space<hbm>> -> memref<16x1024xf32, #tpu.memory_space<hbm>>
    tpu.enqueue_dma source(%dma_start3A_224 : memref<16x1024xf32, #tpu.memory_space<hbm>>) target(%arg5 : memref<16x1024xf32, #tpu.memory_space<vmem>>) target_semaphore(%arg9 : memref<!tpu.dma_semaphore, #tpu.memory_space<semaphore_mem>>)
    %dma_wait3A_225 = arith.constant 0 : i32
    %dma_wait3A_226 = tpu.memref_slice %arg2[%add3A_160, %dma_wait3A_225] : memref<8192x1024xf32, #tpu.memory_space<hbm>> -> memref<16x1024xf32, #tpu.memory_space<hbm>>
    %dma_wait3A_227 = arith.constant 0 : i32
    %dma_wait3A_228 = tpu.memref_slice %arg2[%add3A_160, %dma_wait3A_227] : memref<8192x1024xf32, #tpu.memory_space<hbm>> -> memref<16x1024xf32, #tpu.memory_space<hbm>>
    tpu.wait_dma2 semaphore(%arg10 : memref<!tpu.dma_semaphore, #tpu.memory_space<semaphore_mem>>) src(%dma_wait3A_228 : memref<16x1024xf32, #tpu.memory_space<hbm>>) dst(%arg6 : memref<16x1024xf32, #tpu.memory_space<vmem>>)
    %add3A_229 = arith.constant 160 : i32
    %add3A_230 = arith.addi %mul3A_2, %add3A_229 : i32
    %dma_start3A_231 = arith.constant 0 : i32
    %dma_start3A_232 = tpu.memref_slice %arg3[%add3A_230, %dma_start3A_231] : memref<8192x1024xf32, #tpu.memory_space<hbm>> -> memref<16x1024xf32, #tpu.memory_space<hbm>>
    %dma_start3A_233 = arith.constant 0 : i32
    %dma_start3A_234 = tpu.memref_slice %arg3[%add3A_230, %dma_start3A_233] : memref<8192x1024xf32, #tpu.memory_space<hbm>> -> memref<16x1024xf32, #tpu.memory_space<hbm>>
    tpu.enqueue_dma source(%arg6 : memref<16x1024xf32, #tpu.memory_space<vmem>>) target(%dma_start3A_234 : memref<16x1024xf32, #tpu.memory_space<hbm>>) target_semaphore(%arg14 : memref<!tpu.dma_semaphore, #tpu.memory_space<semaphore_mem>>)
    %dma_wait3A_235 = arith.constant 0 : i32
    %dma_wait3A_236 = tpu.memref_slice %arg3[%add3A_230, %dma_wait3A_235] : memref<8192x1024xf32, #tpu.memory_space<hbm>> -> memref<16x1024xf32, #tpu.memory_space<hbm>>
    %dma_wait3A_237 = arith.constant 0 : i32
    %dma_wait3A_238 = tpu.memref_slice %arg3[%add3A_230, %dma_wait3A_237] : memref<8192x1024xf32, #tpu.memory_space<hbm>> -> memref<16x1024xf32, #tpu.memory_space<hbm>>
    tpu.wait_dma2 semaphore(%arg14 : memref<!tpu.dma_semaphore, #tpu.memory_space<semaphore_mem>>) src(%arg6 : memref<16x1024xf32, #tpu.memory_space<vmem>>) dst(%dma_wait3A_238 : memref<16x1024xf32, #tpu.memory_space<hbm>>)
    %add3A_239 = arith.constant 224 : i32
    %add3A_240 = arith.addi %mul3A_2, %add3A_239 : i32
    %dma_start3A_241 = arith.constant 0 : i32
    %dma_start3A_242 = tpu.memref_slice %arg2[%add3A_240, %dma_start3A_241] : memref<8192x1024xf32, #tpu.memory_space<hbm>> -> memref<16x1024xf32, #tpu.memory_space<hbm>>
    %dma_start3A_243 = arith.constant 0 : i32
    %dma_start3A_244 = tpu.memref_slice %arg2[%add3A_240, %dma_start3A_243] : memref<8192x1024xf32, #tpu.memory_space<hbm>> -> memref<16x1024xf32, #tpu.memory_space<hbm>>
    tpu.enqueue_dma source(%dma_start3A_244 : memref<16x1024xf32, #tpu.memory_space<hbm>>) target(%arg6 : memref<16x1024xf32, #tpu.memory_space<vmem>>) target_semaphore(%arg10 : memref<!tpu.dma_semaphore, #tpu.memory_space<semaphore_mem>>)
    %dma_wait3A_245 = arith.constant 0 : i32
    %dma_wait3A_246 = tpu.memref_slice %arg2[%add3A_180, %dma_wait3A_245] : memref<8192x1024xf32, #tpu.memory_space<hbm>> -> memref<16x1024xf32, #tpu.memory_space<hbm>>
    %dma_wait3A_247 = arith.constant 0 : i32
    %dma_wait3A_248 = tpu.memref_slice %arg2[%add3A_180, %dma_wait3A_247] : memref<8192x1024xf32, #tpu.memory_space<hbm>> -> memref<16x1024xf32, #tpu.memory_space<hbm>>
    tpu.wait_dma2 semaphore(%arg11 : memref<!tpu.dma_semaphore, #tpu.memory_space<semaphore_mem>>) src(%dma_wait3A_248 : memref<16x1024xf32, #tpu.memory_space<hbm>>) dst(%arg7 : memref<16x1024xf32, #tpu.memory_space<vmem>>)
    %add3A_249 = arith.constant 176 : i32
    %add3A_250 = arith.addi %mul3A_2, %add3A_249 : i32
    %dma_start3A_251 = arith.constant 0 : i32
    %dma_start3A_252 = tpu.memref_slice %arg3[%add3A_250, %dma_start3A_251] : memref<8192x1024xf32, #tpu.memory_space<hbm>> -> memref<16x1024xf32, #tpu.memory_space<hbm>>
    %dma_start3A_253 = arith.constant 0 : i32
    %dma_start3A_254 = tpu.memref_slice %arg3[%add3A_250, %dma_start3A_253] : memref<8192x1024xf32, #tpu.memory_space<hbm>> -> memref<16x1024xf32, #tpu.memory_space<hbm>>
    tpu.enqueue_dma source(%arg7 : memref<16x1024xf32, #tpu.memory_space<vmem>>) target(%dma_start3A_254 : memref<16x1024xf32, #tpu.memory_space<hbm>>) target_semaphore(%arg15 : memref<!tpu.dma_semaphore, #tpu.memory_space<semaphore_mem>>)
    %dma_wait3A_255 = arith.constant 0 : i32
    %dma_wait3A_256 = tpu.memref_slice %arg3[%add3A_250, %dma_wait3A_255] : memref<8192x1024xf32, #tpu.memory_space<hbm>> -> memref<16x1024xf32, #tpu.memory_space<hbm>>
    %dma_wait3A_257 = arith.constant 0 : i32
    %dma_wait3A_258 = tpu.memref_slice %arg3[%add3A_250, %dma_wait3A_257] : memref<8192x1024xf32, #tpu.memory_space<hbm>> -> memref<16x1024xf32, #tpu.memory_space<hbm>>
    tpu.wait_dma2 semaphore(%arg15 : memref<!tpu.dma_semaphore, #tpu.memory_space<semaphore_mem>>) src(%arg7 : memref<16x1024xf32, #tpu.memory_space<vmem>>) dst(%dma_wait3A_258 : memref<16x1024xf32, #tpu.memory_space<hbm>>)
    %add3A_259 = arith.constant 240 : i32
    %add3A_260 = arith.addi %mul3A_2, %add3A_259 : i32
    %dma_start3A_261 = arith.constant 0 : i32
    %dma_start3A_262 = tpu.memref_slice %arg2[%add3A_260, %dma_start3A_261] : memref<8192x1024xf32, #tpu.memory_space<hbm>> -> memref<16x1024xf32, #tpu.memory_space<hbm>>
    %dma_start3A_263 = arith.constant 0 : i32
    %dma_start3A_264 = tpu.memref_slice %arg2[%add3A_260, %dma_start3A_263] : memref<8192x1024xf32, #tpu.memory_space<hbm>> -> memref<16x1024xf32, #tpu.memory_space<hbm>>
    tpu.enqueue_dma source(%dma_start3A_264 : memref<16x1024xf32, #tpu.memory_space<hbm>>) target(%arg7 : memref<16x1024xf32, #tpu.memory_space<vmem>>) target_semaphore(%arg11 : memref<!tpu.dma_semaphore, #tpu.memory_space<semaphore_mem>>)
    %dma_wait3A_265 = arith.constant 0 : i32
    %dma_wait3A_266 = tpu.memref_slice %arg2[%add3A_200, %dma_wait3A_265] : memref<8192x1024xf32, #tpu.memory_space<hbm>> -> memref<16x1024xf32, #tpu.memory_space<hbm>>
    %dma_wait3A_267 = arith.constant 0 : i32
    %dma_wait3A_268 = tpu.memref_slice %arg2[%add3A_200, %dma_wait3A_267] : memref<8192x1024xf32, #tpu.memory_space<hbm>> -> memref<16x1024xf32, #tpu.memory_space<hbm>>
    tpu.wait_dma2 semaphore(%arg8 : memref<!tpu.dma_semaphore, #tpu.memory_space<semaphore_mem>>) src(%dma_wait3A_268 : memref<16x1024xf32, #tpu.memory_space<hbm>>) dst(%arg4 : memref<16x1024xf32, #tpu.memory_space<vmem>>)
    %add3A_269 = arith.constant 192 : i32
    %add3A_270 = arith.addi %mul3A_2, %add3A_269 : i32
    %dma_start3A_271 = arith.constant 0 : i32
    %dma_start3A_272 = tpu.memref_slice %arg3[%add3A_270, %dma_start3A_271] : memref<8192x1024xf32, #tpu.memory_space<hbm>> -> memref<16x1024xf32, #tpu.memory_space<hbm>>
    %dma_start3A_273 = arith.constant 0 : i32
    %dma_start3A_274 = tpu.memref_slice %arg3[%add3A_270, %dma_start3A_273] : memref<8192x1024xf32, #tpu.memory_space<hbm>> -> memref<16x1024xf32, #tpu.memory_space<hbm>>
    tpu.enqueue_dma source(%arg4 : memref<16x1024xf32, #tpu.memory_space<vmem>>) target(%dma_start3A_274 : memref<16x1024xf32, #tpu.memory_space<hbm>>) target_semaphore(%arg12 : memref<!tpu.dma_semaphore, #tpu.memory_space<semaphore_mem>>)
    %dma_wait3A_275 = arith.constant 0 : i32
    %dma_wait3A_276 = tpu.memref_slice %arg2[%add3A_220, %dma_wait3A_275] : memref<8192x1024xf32, #tpu.memory_space<hbm>> -> memref<16x1024xf32, #tpu.memory_space<hbm>>
    %dma_wait3A_277 = arith.constant 0 : i32
    %dma_wait3A_278 = tpu.memref_slice %arg2[%add3A_220, %dma_wait3A_277] : memref<8192x1024xf32, #tpu.memory_space<hbm>> -> memref<16x1024xf32, #tpu.memory_space<hbm>>
    tpu.wait_dma2 semaphore(%arg9 : memref<!tpu.dma_semaphore, #tpu.memory_space<semaphore_mem>>) src(%dma_wait3A_278 : memref<16x1024xf32, #tpu.memory_space<hbm>>) dst(%arg5 : memref<16x1024xf32, #tpu.memory_space<vmem>>)
    %add3A_279 = arith.constant 208 : i32
    %add3A_280 = arith.addi %mul3A_2, %add3A_279 : i32
    %dma_start3A_281 = arith.constant 0 : i32
    %dma_start3A_282 = tpu.memref_slice %arg3[%add3A_280, %dma_start3A_281] : memref<8192x1024xf32, #tpu.memory_space<hbm>> -> memref<16x1024xf32, #tpu.memory_space<hbm>>
    %dma_start3A_283 = arith.constant 0 : i32
    %dma_start3A_284 = tpu.memref_slice %arg3[%add3A_280, %dma_start3A_283] : memref<8192x1024xf32, #tpu.memory_space<hbm>> -> memref<16x1024xf32, #tpu.memory_space<hbm>>
    tpu.enqueue_dma source(%arg5 : memref<16x1024xf32, #tpu.memory_space<vmem>>) target(%dma_start3A_284 : memref<16x1024xf32, #tpu.memory_space<hbm>>) target_semaphore(%arg13 : memref<!tpu.dma_semaphore, #tpu.memory_space<semaphore_mem>>)
    %dma_wait3A_285 = arith.constant 0 : i32
    %dma_wait3A_286 = tpu.memref_slice %arg2[%add3A_240, %dma_wait3A_285] : memref<8192x1024xf32, #tpu.memory_space<hbm>> -> memref<16x1024xf32, #tpu.memory_space<hbm>>
    %dma_wait3A_287 = arith.constant 0 : i32
    %dma_wait3A_288 = tpu.memref_slice %arg2[%add3A_240, %dma_wait3A_287] : memref<8192x1024xf32, #tpu.memory_space<hbm>> -> memref<16x1024xf32, #tpu.memory_space<hbm>>
    tpu.wait_dma2 semaphore(%arg10 : memref<!tpu.dma_semaphore, #tpu.memory_space<semaphore_mem>>) src(%dma_wait3A_288 : memref<16x1024xf32, #tpu.memory_space<hbm>>) dst(%arg6 : memref<16x1024xf32, #tpu.memory_space<vmem>>)
    %add3A_289 = arith.constant 224 : i32
    %add3A_290 = arith.addi %mul3A_2, %add3A_289 : i32
    %dma_start3A_291 = arith.constant 0 : i32
    %dma_start3A_292 = tpu.memref_slice %arg3[%add3A_290, %dma_start3A_291] : memref<8192x1024xf32, #tpu.memory_space<hbm>> -> memref<16x1024xf32, #tpu.memory_space<hbm>>
    %dma_start3A_293 = arith.constant 0 : i32
    %dma_start3A_294 = tpu.memref_slice %arg3[%add3A_290, %dma_start3A_293] : memref<8192x1024xf32, #tpu.memory_space<hbm>> -> memref<16x1024xf32, #tpu.memory_space<hbm>>
    tpu.enqueue_dma source(%arg6 : memref<16x1024xf32, #tpu.memory_space<vmem>>) target(%dma_start3A_294 : memref<16x1024xf32, #tpu.memory_space<hbm>>) target_semaphore(%arg14 : memref<!tpu.dma_semaphore, #tpu.memory_space<semaphore_mem>>)
    %dma_wait3A_295 = arith.constant 0 : i32
    %dma_wait3A_296 = tpu.memref_slice %arg2[%add3A_260, %dma_wait3A_295] : memref<8192x1024xf32, #tpu.memory_space<hbm>> -> memref<16x1024xf32, #tpu.memory_space<hbm>>
    %dma_wait3A_297 = arith.constant 0 : i32
    %dma_wait3A_298 = tpu.memref_slice %arg2[%add3A_260, %dma_wait3A_297] : memref<8192x1024xf32, #tpu.memory_space<hbm>> -> memref<16x1024xf32, #tpu.memory_space<hbm>>
    tpu.wait_dma2 semaphore(%arg11 : memref<!tpu.dma_semaphore, #tpu.memory_space<semaphore_mem>>) src(%dma_wait3A_298 : memref<16x1024xf32, #tpu.memory_space<hbm>>) dst(%arg7 : memref<16x1024xf32, #tpu.memory_space<vmem>>)
    %add3A_299 = arith.constant 240 : i32
    %add3A_300 = arith.addi %mul3A_2, %add3A_299 : i32
    %dma_start3A_301 = arith.constant 0 : i32
    %dma_start3A_302 = tpu.memref_slice %arg3[%add3A_300, %dma_start3A_301] : memref<8192x1024xf32, #tpu.memory_space<hbm>> -> memref<16x1024xf32, #tpu.memory_space<hbm>>
    %dma_start3A_303 = arith.constant 0 : i32
    %dma_start3A_304 = tpu.memref_slice %arg3[%add3A_300, %dma_start3A_303] : memref<8192x1024xf32, #tpu.memory_space<hbm>> -> memref<16x1024xf32, #tpu.memory_space<hbm>>
    tpu.enqueue_dma source(%arg7 : memref<16x1024xf32, #tpu.memory_space<vmem>>) target(%dma_start3A_304 : memref<16x1024xf32, #tpu.memory_space<hbm>>) target_semaphore(%arg15 : memref<!tpu.dma_semaphore, #tpu.memory_space<semaphore_mem>>)
    %dma_wait3A_305 = arith.constant 0 : i32
    %dma_wait3A_306 = tpu.memref_slice %arg3[%add3A_270, %dma_wait3A_305] : memref<8192x1024xf32, #tpu.memory_space<hbm>> -> memref<16x1024xf32, #tpu.memory_space<hbm>>
    %dma_wait3A_307 = arith.constant 0 : i32
    %dma_wait3A_308 = tpu.memref_slice %arg3[%add3A_270, %dma_wait3A_307] : memref<8192x1024xf32, #tpu.memory_space<hbm>> -> memref<16x1024xf32, #tpu.memory_space<hbm>>
    tpu.wait_dma2 semaphore(%arg12 : memref<!tpu.dma_semaphore, #tpu.memory_space<semaphore_mem>>) src(%arg4 : memref<16x1024xf32, #tpu.memory_space<vmem>>) dst(%dma_wait3A_308 : memref<16x1024xf32, #tpu.memory_space<hbm>>)
    %dma_wait3A_309 = arith.constant 0 : i32
    %dma_wait3A_310 = tpu.memref_slice %arg3[%add3A_280, %dma_wait3A_309] : memref<8192x1024xf32, #tpu.memory_space<hbm>> -> memref<16x1024xf32, #tpu.memory_space<hbm>>
    %dma_wait3A_311 = arith.constant 0 : i32
    %dma_wait3A_312 = tpu.memref_slice %arg3[%add3A_280, %dma_wait3A_311] : memref<8192x1024xf32, #tpu.memory_space<hbm>> -> memref<16x1024xf32, #tpu.memory_space<hbm>>
    tpu.wait_dma2 semaphore(%arg13 : memref<!tpu.dma_semaphore, #tpu.memory_space<semaphore_mem>>) src(%arg5 : memref<16x1024xf32, #tpu.memory_space<vmem>>) dst(%dma_wait3A_312 : memref<16x1024xf32, #tpu.memory_space<hbm>>)
    %dma_wait3A_313 = arith.constant 0 : i32
    %dma_wait3A_314 = tpu.memref_slice %arg3[%add3A_290, %dma_wait3A_313] : memref<8192x1024xf32, #tpu.memory_space<hbm>> -> memref<16x1024xf32, #tpu.memory_space<hbm>>
    %dma_wait3A_315 = arith.constant 0 : i32
    %dma_wait3A_316 = tpu.memref_slice %arg3[%add3A_290, %dma_wait3A_315] : memref<8192x1024xf32, #tpu.memory_space<hbm>> -> memref<16x1024xf32, #tpu.memory_space<hbm>>
    tpu.wait_dma2 semaphore(%arg14 : memref<!tpu.dma_semaphore, #tpu.memory_space<semaphore_mem>>) src(%arg6 : memref<16x1024xf32, #tpu.memory_space<vmem>>) dst(%dma_wait3A_316 : memref<16x1024xf32, #tpu.memory_space<hbm>>)
    %dma_wait3A_317 = arith.constant 0 : i32
    %dma_wait3A_318 = tpu.memref_slice %arg3[%add3A_300, %dma_wait3A_317] : memref<8192x1024xf32, #tpu.memory_space<hbm>> -> memref<16x1024xf32, #tpu.memory_space<hbm>>
    %dma_wait3A_319 = arith.constant 0 : i32
    %dma_wait3A_320 = tpu.memref_slice %arg3[%add3A_300, %dma_wait3A_319] : memref<8192x1024xf32, #tpu.memory_space<hbm>> -> memref<16x1024xf32, #tpu.memory_space<hbm>>
    tpu.wait_dma2 semaphore(%arg15 : memref<!tpu.dma_semaphore, #tpu.memory_space<semaphore_mem>>) src(%arg7 : memref<16x1024xf32, #tpu.memory_space<vmem>>) dst(%dma_wait3A_320 : memref<16x1024xf32, #tpu.memory_space<hbm>>)
    return
  }
}

</mosaic_0001>

<sc_bundles>
// kernel: kernel.3.cloned.1.call-start
scs
__scs_entry_jumppad:
0x0: {  	(pc) =	sbr.rel $0x88, $3  }
0x1: {  	(tag) =	ssettag $0x0;
	lr =	simm.s32 $0x1  }
0x2: {  	[smem:$0x3FA0] =	sst lr;
	_ =	strace $0xD0000000  }
0x3: {  	_ = 	snop  }
0x4: {  	_ = 	snop  }
0x5: {  	_ = 	snop  }
0x6: {  	_ = 	snop  }
0x7: {  	_ = 	snop  }
__scs_overlays_trampoline_lowered:
0x8: {  	[smem:$0x3FAF] =	sst s0  }
0x9: {  	[smem:$0x3FB0] =	sst s1  }
0xa: {  	[smem:$0x3FB1] =	sst s2  }
0xb: {  	[smem:$0x3FB2] =	sst s3  }
0xc: {  	[smem:$0x3FB3] =	sst s4  }
0xd: {  	[smem:$0x3FB4] =	sst s5  }
0xe: {  	[smem:$0x3FB5] =	sst s6  }
0xf: {  	[smem:$0x3FB6] =	sst s7  }
0x10: {  	[smem:$0x3FB7] =	sst s8  }
0x11: {  	[smem:$0x3FB8] =	sst s9;
	s0 =	simm.s32 @!p0 $0x0  }
0x12: {  	s1 =	sld [smem:$0x3F9E];
	s0 =	simm.s32 @p0 $0x1  }
0x13: {  	[smem:$0x3FB9] =	sst s0;
	s0 =	simm.s32 @!p1 $0x0  }
0x14: {  	s2 =	sld [smem:$0x3F9D];
	s0 =	simm.s32 @p1 $0x1  }
0x15: {  	[smem:$0x3FBA] =	sst s0;
	s0 =	simm.s32 @!p2 $0x0  }
0x16: {  	s3 =	sld [smem:$0x3FDB];
	s0 =	simm.s32 @p2 $0x1  }
0x17: {  	s4 =	simm.s32 $0x1BF5;
	[smem:$0x3FBC] =	sst s0  }
0x18: {  	s0 =	sld [smem:$0x3F9F];
	_ =	swait.ge [sflag:s4], $0x0  }
0x19: {  	s7 =	sld [smem:$0x3FA0]  }
0x1a: {  	s8 =	sadd.s32 $0xFFFFE003, lr  }
0x1b: {  	s9 =	sadd.s32 $0xFFFFFEF7, lr;
	s5 =	simm.s32 $0xFFFFFFFF;
	p2 =	slt.u32 s8, $0xFFFFF086  }
0x1c: {  	p1 =	slt.u32 s9, $0xF7A;
	s5 =	simm.s32 @!p2 $0x0  }
0x1d: {  	s5 =	simm.s32 @p1 $0x1;
	p0 =	seq.s32 s7, s2  }
0x1e: {  	s7 =	smul.u32 @!p0 $0xF7A, s2;
	p2 =	seq.s32 @!p0 s5, $0x0  }
0x1f: {  	s9 =	smul.u32 $0xF7A, s1;
	s8 =	simm.s32 @!p0 $0x1BF5;
	p2 =	por !p2, p0  }
0x20: {  	[sflag:s8] =	ssyncset.s32 @!p0 $0xFFFFF086;
	s6 =	sadd.s32 @!p0 s3, s7;
	s7 =	simm.s32 @!p0 $0x108  }
0x21: {  	s3 =	sadd.s32 s3, s9;
	s6 =	sadd.s32 @!p0 $0x88, s6;
	s7 =	simm.s32 @p2 $0x1082  }
0x22: {  	[simem:s7], [sflag:s8] =	dma.local @!p0 [hbm:s6], $0xF7A  }
0x23: {  	s9 =	sor.u32 $0xD0000000, s2;
	s6 =	simm.s32 $0x108;
	_ =	swait.ge @!p0 [sflag:s8], $0x0  }
0x24: {  	s3 =	sadd.s32 $0x88, s3;
	s6 =	simm.s32 @!p1 $0x1082;
	[sflag:s4] =	ssyncset.s32 $0xFFFFF086  }
0x25: {  	[simem:s6], [sflag:s4] =	dma.local [hbm:s3], $0xF7A  }
0x26: {  	[smem:$0x3FA0] =	sst s1;
	(tag) =	ssettag s2;
	_ =	strace s9  }
0x27: {  	s1 =	sld [smem:$0x3FB0]  }
0x28: {  	s2 =	sld [smem:$0x3FB1]  }
0x29: {  	s4 =	sld [smem:$0x3FB3]  }
0x2a: {  	p0 =	seq.s32 s5, $0x0;
	s5 =	sld [smem:$0x3FB4]  }
0x2b: {  	s6 =	sld [smem:$0x3FB5]  }
0x2c: {  	s7 =	sld [smem:$0x3FB6]  }
0x2d: {  	s3 =	simm.s32 $0x108;
	s8 =	sld [smem:$0x3FB7]  }
0x2e: {  	s3 =	simm.s32 @!p0 $0x1082;
	s9 =	sld [smem:$0x3FB8]  }
0x2f: {  	lr =	sadd.s32 s0, s3;
	s0 =	sld [smem:$0x3FAF]  }
0x30: {  	s3 =	sld [smem:$0x3FB2]  }
0x31: {  	[smem:$0x3FBB] =	sst s10  }
0x32: {  	s10 =	sld [smem:$0x3FB9];
	_ =	sdelay $0x3  }
0x33: {  	p0 =	seq.s32 s10, $0x1;
	s10 =	sld [smem:$0x3FBB];
	_ =	sdelay $0x3  }
0x34: {  	[smem:$0x3FBB] =	sst s10  }
0x35: {  	s10 =	sld [smem:$0x3FBA];
	_ =	sdelay $0x3  }
0x36: {  	p1 =	seq.s32 s10, $0x1;
	s10 =	sld [smem:$0x3FBB];
	_ =	sdelay $0x3  }
0x37: {  	[smem:$0x3FBB] =	sst s10  }
0x38: {  	s10 =	sld [smem:$0x3FBC]  }
0x39: {  	_ = 	snop;
	(pc) =	sbr.ind lr, $3  }
0x3a: {  	_ = 	snop  }
0x3b: {  	_ = 	snop  }
0x3c: {  	p2 =	seq.s32 s10, $0x1;
	s10 =	sld [smem:$0x3FBB]  }
0x3d: {  	_ =	shalt  }
0x3e: {  	_ =	shalt  }
0x3f: {  	_ =	shalt  }
0x40: {  	_ =	shalt  }
0x41: {  	_ =	shalt  }
0x42: {  	_ =	shalt  }
0x43: {  	_ =	shalt  }
0x44: {  	_ =	shalt  }
0x45: {  	_ =	shalt  }
0x46: {  	_ =	shalt  }
0x47: {  	_ =	shalt  }
0x48: {  	_ =	shalt  }
0x49: {  	_ =	shalt  }
0x4a: {  	_ =	shalt  }
0x4b: {  	_ =	shalt  }
0x4c: {  	_ =	shalt  }
0x4d: {  	_ =	shalt  }
0x4e: {  	_ =	shalt  }
0x4f: {  	_ =	shalt  }
0x50: {  	_ =	shalt  }
0x51: {  	_ =	shalt  }
0x52: {  	_ =	shalt  }
0x53: {  	_ =	shalt  }
0x54: {  	_ =	shalt  }
0x55: {  	_ =	shalt  }
0x56: {  	_ =	shalt  }
0x57: {  	_ =	shalt  }
0x58: {  	_ =	shalt  }
0x59: {  	_ =	shalt  }
0x5a: {  	_ =	shalt  }
0x5b: {  	_ =	shalt  }
0x5c: {  	_ =	shalt  }
0x5d: {  	_ =	shalt  }
0x5e: {  	_ =	shalt  }
0x5f: {  	_ =	shalt  }
0x60: {  	_ =	shalt  }
0x61: {  	_ =	shalt  }
0x62: {  	_ =	shalt  }
0x63: {  	_ =	shalt  }
0x64: {  	_ =	shalt  }
0x65: {  	_ =	shalt  }
0x66: {  	_ =	shalt  }
0x67: {  	_ =	shalt  }
0x68: {  	_ =	shalt  }
0x69: {  	_ =	shalt  }
0x6a: {  	_ =	shalt  }
0x6b: {  	_ =	shalt  }
0x6c: {  	_ =	shalt  }
0x6d: {  	_ =	shalt  }
0x6e: {  	_ =	shalt  }
0x6f: {  	_ =	shalt  }
0x70: {  	_ =	shalt  }
0x71: {  	_ =	shalt  }
0x72: {  	_ =	shalt  }
0x73: {  	_ =	shalt  }
0x74: {  	_ =	shalt  }
0x75: {  	_ =	shalt  }
0x76: {  	_ =	shalt  }
0x77: {  	_ =	shalt  }
0x78: {  	_ =	shalt  }
0x79: {  	_ =	shalt  }
0x7a: {  	_ =	shalt  }
0x7b: {  	_ =	shalt  }
0x7c: {  	_ =	shalt  }
0x7d: {  	_ =	shalt  }
0x7e: {  	_ =	shalt  }
0x7f: {  	_ =	shalt  }
0x80: {  	_ =	shalt  }
0x81: {  	_ =	shalt  }
0x82: {  	_ =	shalt  }
0x83: {  	_ =	shalt  }
0x84: {  	_ =	shalt  }
0x85: {  	_ =	shalt  }
0x86: {  	_ =	shalt  }
0x87: {  	_ =	shalt  }
.Lfunc_end0:
.L_simem_size_0:
called_computation_lowered:
.L_overlay_start_0:
0x88: {  	s2 =	sld [smem:$0x3FD9]  }
0x89: {  	s3 =	sld [smem:$0x3FFE];
	_ =	sdelay $0x1  }
0x8a: {  	s1 =	srdreg.scid  }
0x8b: {  	s0 =	sand.u32 $0x1, s1  }
0x8c: {  	s18 =	sshll.u32 s0, $0xA;
	s2 =	sadd.s32 s3, s2  }
0x8d: {  	s2 =	sadd.s32 s2, s18  }
0x8e: {  	[smem:$0x3FC7] =	sst s2  }
0x8f: {  	_ = 	snop  }
0x90: {  	s2 =	sld [smem:$0x3FC9]  }
0x91: {  	s19 =	sld [smem:$0x3FD0];
	(tm) =	ssettm $0x1  }
0x92: {  	s4 =	sld [smem:$0x3FFB];
	_ =	sdelay $0x3  }
0x93: {  	_ =	strace s4  }
0x94: {  	s4 =	sld [smem:$0x3FFC];
	_ =	sdelay $0x3  }
0x95: {  	_ =	strace s4  }
0x96: {  	s4 =	sld [smem:$0x3FFD];
	_ =	sdelay $0x3  }
0x97: {  	_ =	strace s4  }
0x98: {  	_ =	strace $0x8FFFFFFF  }
0x99: {  	s20 =	sld [smem:$0x3FDB];
	_ =	sdelay $0x1  }
0x9a: {  	s5 =	simm.s32 $_scs_section_size  }
0x9b: {  	s6 =	simm.s32 $_size__tile_overlayer_lowered;
	s7 =	simm.s32 $_tile_overlayer_lowered  }
0x9c: {  	s23 =	simm.s32 $0x1BFF;
	s22 =	sshll.u32 s7, $0x1;
	s4 =	sadd.s32 s5, s20  }
0x9d: {  	s8 =	simm.s32 $0x0;
	s21 =	sshll.u32 s6, $0x1;
	s6 =	sadd.s32 s22, s4  }
0x9e: {  	[timem:s8], [sflag:s23] =	dma.local [hbm:s6], s21  }
0x9f: {  	_ =	swait.ge [sflag:s23], s21  }
0xa0: {  	s5 =	ssub.s32 $0x0, s21;
	[sflag:s23] =	ssyncset.done $0x0  }
0xa1: {  	[sflag:s23] =	ssyncadd.s32 s5;
	_ =	sdelay $0x1  }
0xa2: {  	s24 =	simm.s32 $0x1B8B  }
0xa3: {  	_ =	swait.ge [sflag:s24], $0x1  }
0xa4: {  	[sflag:s24] =	ssyncset.done $0x0  }
0xa5: {  	s25 =	simm.s32 $0x1B8E;
	[sflag:s24] =	ssyncadd.s32 $0xFFFFFFFF  }
0xa6: {  	s26 =	simm.s32 $execute0_lowered;
	[smem:$0x3FD2] =	sst s25  }
0xa7: {  	s5 =	sshll.u32 s26, $0x1;
	_ =	strace $0x80000046;
	[dreg:$0x1] =	wrdreg $0xFFFFFFFF  }
0xa8: {  	s28 =	simm.s32 $_size_execute0_lowered;
	s4 =	sadd.s32 s4, s5;
	[dreg:$0x0] =	wrdreg $0x0  }
0xa9: {  	s5 =	sshll.u32 s28, $0x1;
	[dreg:$0x2] =	wrdreg s4  }
0xaa: {  	[dreg:$0x3] =	wrdreg s5  }
0xab: {  	[dreg:$0x4] =	wrdreg $0xC0  }
0xac: {  	_ =	task [dreg:s8], $0x5FFFF  }
0xad: {  	[dreg:$0x1] =	wrdreg $0xFFFFFFFF  }
0xae: {  	[dreg:$0x0] =	wrdreg $0x60  }
0xaf: {  	[dreg:$0x2] =	wrdreg s2  }
0xb0: {  	[dreg:$0x3] =	wrdreg s19  }
0xb1: {  	[dreg:$0x4] =	wrdreg $0x9  }
0xb2: {  	_ =	task.clear_ibuf [dreg:s8], $0x5FFFF;
	_ =	strace $0x90000046  }
0xb3: {  	s29 =	simm.s32 $0x9;
	_ =	strace $0x80000048  }
0xb4: {  	_ =	swait.ge [sflag:s29], $0x1  }
0xb5: {  	[sflag:s29] =	ssyncadd.s32 $0xFFFFFFFF  }
0xb6: {  	_ =	strace $0x90000048  }
0xb7: {  	_ =	sfence  }
0xb8: {  	s30 =	sld [smem:$0x0];
	_ =	sdelay $0x2  }
0xb9: {  	s31 =	sshll.u32 s1, $0xD;
	s1 =	sshrl.u32 s1, $0x2  }
0xba: {  	s3 =	sand.u32 $0x4000, s31;
	s1 =	sadd.s32 s1, s30  }
0xbb: {  	s0 =	sor.u32 s3, s0;
	s1 =	sshll.u32 s1, $0x11  }
0xbc: {  	s0 =	sor.u32 s1, s0  }
0xbd: {  	s0 =	sadd.s32 $0x8F2B, s0  }
0xbe: {  	[sflag:s0] =	ssyncadd.remote.s32 $0x1  }
0xbf: {  	_ =	sfence.sel $0xFFFF  }
0xc0: {  	[dreg:$0x0] =	wrdreg $0xFFFFFFFF;
	(pc) =	sbr.abs _section_cstart, $3  }
0xc1: {  	[dreg:$0x1] =	wrdreg $0xFFFFFFFF  }
0xc2: {  	_ =	task.clear_ibuf [dreg:s8], $0x2FFFF;
	_ =	strace $0x9FFFFFFF  }
0xc3: {  	(tm) =	ssettm $0x7FFFFFFF  }
tec
execute0_lowered:
.L_overlay_start_1:
0x0: {  	(tag) =	ssettag $0x1  }
0x1: {  	s3 =	rddreg [dreg:$0x0]  }
0x2: {  	s0 =	rddreg [dreg:$0x1];
	s1 =	srdreg.scid  }
0x3: {  	s4 =	stileid.u32;
	s2 =	simm.s32 $0x0;
	s1 =	sand.u32 $0x1, s1  }
0x4: {  	s4 =	sshll.u32 s4, $0x10;
	[smem:$0x7FF] =	sst s2;
	s5 =	sshll.u32 s1, $0xF  }
0x5: {  	p0 =	por $0x0, $0x0;
	_ =	strace $0x80000047;
	s4 =	sor.u32 s5, s4  }
0x6: {  	s1 =	ssub.s32 $0x2, s1;
	s5 =	sadd.s32 s3, s4;
	s6 =	sor.u32 $0x800, s4  }
0x7: {  	s7 =	sor.u32 $0x1000, s4;
	s8 =	sor.u32 $0x1800, s4;
	s13 =	sadd.s32 s0, s4  }
0x8: {  	s9 =	sor.u32 $0x2000, s4;
	s16 =	sor.u32 $0x2800, s4;
	[dreg:$0x3] =	wrdreg s5  }
0x9: {  	s19 =	sor.u32 $0x3000, s4;
	s10 =	sadd.s32 s3, s6;
	[dreg:$0x7] =	wrdreg s13  }
0xa: {  	s22 =	sor.u32 $0x3800, s4;
	s11 =	sadd.s32 s3, s7;
	[dreg:$0x4] =	wrdreg s10  }
0xb: {  	s25 =	sor.u32 $0x4000, s4;
	s12 =	sadd.s32 s3, s8;
	[dreg:$0x5] =	wrdreg s11  }
0xc: {  	s14 =	sadd.s32 s3, s9;
	s15 =	sadd.s32 s0, s6;
	[dreg:$0x6] =	wrdreg s12  }
0xd: {  	s17 =	sadd.s32 s3, s16;
	s18 =	sadd.s32 s0, s7;
	[dreg:$0x8] =	wrdreg s14  }
0xe: {  	s20 =	sadd.s32 s3, s19;
	s21 =	sadd.s32 s0, s8;
	[dreg:$0x9] =	wrdreg s15  }
0xf: {  	s23 =	sadd.s32 s3, s22;
	s24 =	sadd.s32 s0, s9;
	[dreg:$0xa] =	wrdreg s17  }
0x10: {  	s26 =	sadd.s32 s3, s25;
	s6 =	sadd.s32 s0, s16;
	[dreg:$0xb] =	wrdreg s18  }
0x11: {  	s30 =	sadd.s32 s0, s19;
	s28 =	sadd.s32 s0, s22;
	[dreg:$0xc] =	wrdreg s20  }
0x12: {  	s25 =	sadd.s32 s0, s25;
	s13 =	sor.u32 $0x6000, s4;
	[dreg:$0xd] =	wrdreg s21  }
0x13: {  	s16 =	sor.u32 $0x6800, s4;
	s19 =	sor.u32 $0x7800, s4;
	[dreg:$0xe] =	wrdreg s23  }
0x14: {  	s7 =	simm.s32 $0xC000;
	s5 =	simm.s32 $0x5;
	[dreg:$0xf] =	wrdreg s24  }
0x15: {  	s9 =	simm.s32 $0x6;
	s8 =	simm.s32 $0x7;
	[dreg:$0x10] =	wrdreg s26  }
0x16: {  	s10 =	sshrl.u32 s1, $0x1;
	[dreg:$0x11] =	wrdreg s6;
	s11 =	sor.u32 $0x5000, s4  }
0x17: {  	s12 =	sor.u32 $0x5800, s4;
	s24 =	sadd.s32 s3, s13;
	s22 =	sadd.s32 s3, s16  }
0x18: {  	s18 =	sor.u32 $0x7000, s4;
	s14 =	sadd.s32 s3, s19;
	s6 =	simm.s32 $0x8  }
0x19: {  	s1 =	ssub.s32 s1, s10;
	s10 =	sor.u32 $0x4800, s4;
	s29 =	sadd.s32 s3, s11  }
0x1a: {  	s26 =	sadd.s32 s3, s12;
	s20 =	sadd.s32 s0, s11;
	s21 =	smax.u32 s1, $0x1  }
0x1b: {  	s17 =	sadd.s32 s3, s18;
	s15 =	sadd.s32 s0, s12;
	p1 =	sne.s32 s21, $0x1  }
.Ltmp0:
0x1c: {  	s12 =	sadd.s32 s0, s13;
	s4 =	sadd.s32 s0, s18;
	(pc) =	sbr.rel @!p1 .LBB2_3-.Ltmp0, $4  }
0x1d: {  	s13 =	simm.s32 $0x4000;
	s11 =	simm.s32 $0x8000;
	s18 =	simm.s32 $0x3  }
0x1e: {  	s31 =	sadd.s32 s3, s10;
	s23 =	sadd.s32 s0, s10;
	s10 =	sadd.s32 s0, s16  }
0x1f: {  	s3 =	sadd.s32 s0, s19;
	s19 =	simm.s32 $0x1;
	s16 =	simm.s32 $0x4  }
0x20: {  	s1 =	rddreg [dreg:$0x3];
	s0 =	sadd.s32 $0xFFFFFFFF, s21;
	s21 =	simm.s32 $0x2  }
0x21: {  	[dreg:$0x12] =	wrdreg s0  }
0x22: {  	[tilespmem:s2], [sflag:$0x1] =	stream.linear.gather [hbm4b:s1+s2], $0x4000, $0x38;
	[tilespmem:$0x10000] =	vst v63  }
0x23: {  	s0 =	rddreg [dreg:$0x4]  }
0x24: {  	[tilespmem:s13], [sflag:$0x2] =	stream.linear.gather [hbm4b:s0+s2], $0x4000, $0x38;
	[tilespmem:$0x10000] =	vst v63  }
0x25: {  	s1 =	rddreg [dreg:$0x5]  }
0x26: {  	[tilespmem:s11], [sflag:$0x3] =	stream.linear.gather [hbm4b:s1+s2], $0x4000, $0x38;
	[tilespmem:$0x10000] =	vst v63  }
0x27: {  	s0 =	rddreg [dreg:$0x6]  }
0x28: {  	[tilespmem:s7], [sflag:$0x4] =	stream.linear.gather [hbm4b:s0+s2], $0x4000, $0x38;
	[tilespmem:$0x10000] =	vst v63  }
0x29: {  	_ =	swait.ge [sflag:s19], $0x4000  }
0x2a: {  	[sflag:s19] =	ssyncset.done $0x0  }
0x2b: {  	s1 =	rddreg [dreg:$0x7];
	[sflag:s19] =	ssyncadd.s32 $0xFFFFC000  }
0x2c: {  	[hbm4b:s1+s2] =	stream.linear.scatter [tilespmem:s2], [sflag:$0x5], $0x4000, $0x38;
	[tilespmem:$0x10000] =	vst v63  }
0x2d: {  	_ =	swait.ge [sflag:s5], $0x4000  }
0x2e: {  	[sflag:s5] =	ssyncset.done $0x0  }
0x2f: {  	s1 =	rddreg [dreg:$0x8];
	[sflag:s5] =	ssyncadd.s32 $0xFFFFC000  }
0x30: {  	[tilespmem:s2], [sflag:$0x1] =	stream.linear.gather [hbm4b:s1+s2], $0x4000, $0x38;
	[tilespmem:$0x10000] =	vst v63  }
0x31: {  	_ =	swait.ge [sflag:s21], $0x4000  }
0x32: {  	[sflag:s21] =	ssyncset.done $0x0  }
0x33: {  	s1 =	rddreg [dreg:$0x9];
	[sflag:s21] =	ssyncadd.s32 $0xFFFFC000  }
0x34: {  	[hbm4b:s1+s2] =	stream.linear.scatter [tilespmem:s13], [sflag:$0x6], $0x4000, $0x38;
	[tilespmem:$0x10000] =	vst v63  }
0x35: {  	_ =	swait.ge [sflag:s9], $0x4000  }
0x36: {  	[sflag:s9] =	ssyncset.done $0x0  }
0x37: {  	s1 =	rddreg [dreg:$0xa];
	[sflag:s9] =	ssyncadd.s32 $0xFFFFC000  }
0x38: {  	[tilespmem:s13], [sflag:$0x2] =	stream.linear.gather [hbm4b:s1+s2], $0x4000, $0x38;
	[tilespmem:$0x10000] =	vst v63  }
0x39: {  	_ =	swait.ge [sflag:s18], $0x4000  }
0x3a: {  	[sflag:s18] =	ssyncset.done $0x0  }
0x3b: {  	s1 =	rddreg [dreg:$0xb];
	[sflag:s18] =	ssyncadd.s32 $0xFFFFC000  }
0x3c: {  	[hbm4b:s1+s2] =	stream.linear.scatter [tilespmem:s11], [sflag:$0x7], $0x4000, $0x38;
	[tilespmem:$0x10000] =	vst v63  }
0x3d: {  	_ =	swait.ge [sflag:s8], $0x4000  }
0x3e: {  	[sflag:s8] =	ssyncset.done $0x0  }
0x3f: {  	s1 =	rddreg [dreg:$0xc];
	[sflag:s8] =	ssyncadd.s32 $0xFFFFC000  }
0x40: {  	[tilespmem:s11], [sflag:$0x3] =	stream.linear.gather [hbm4b:s1+s2], $0x4000, $0x38;
	[tilespmem:$0x10000] =	vst v63  }
0x41: {  	_ =	swait.ge [sflag:s16], $0x4000  }
0x42: {  	[sflag:s16] =	ssyncset.done $0x0  }
0x43: {  	s1 =	rddreg [dreg:$0xd];
	[sflag:s16] =	ssyncadd.s32 $0xFFFFC000  }
0x44: {  	[hbm4b:s1+s2] =	stream.linear.scatter [tilespmem:s7], [sflag:$0x8], $0x4000, $0x38;
	[tilespmem:$0x10000] =	vst v63  }
0x45: {  	_ =	swait.ge [sflag:s6], $0x4000  }
0x46: {  	[sflag:s6] =	ssyncset.done $0x0  }
0x47: {  	s1 =	rddreg [dreg:$0xe];
	[sflag:s6] =	ssyncadd.s32 $0xFFFFC000  }
0x48: {  	[tilespmem:s7], [sflag:$0x4] =	stream.linear.gather [hbm4b:s1+s2], $0x4000, $0x38;
	[tilespmem:$0x10000] =	vst v63  }
0x49: {  	_ =	swait.ge [sflag:s19], $0x4000  }
0x4a: {  	[sflag:s19] =	ssyncset.done $0x0  }
0x4b: {  	s1 =	rddreg [dreg:$0xf];
	[sflag:s19] =	ssyncadd.s32 $0xFFFFC000  }
0x4c: {  	[hbm4b:s1+s2] =	stream.linear.scatter [tilespmem:s2], [sflag:$0x5], $0x4000, $0x38;
	[tilespmem:$0x10000] =	vst v63  }
0x4d: {  	_ =	swait.ge [sflag:s5], $0x4000  }
0x4e: {  	[sflag:s5] =	ssyncset.done $0x0  }
0x4f: {  	s1 =	rddreg [dreg:$0x10];
	[sflag:s5] =	ssyncadd.s32 $0xFFFFC000  }
0x50: {  	[tilespmem:s2], [sflag:$0x1] =	stream.linear.gather [hbm4b:s1+s2], $0x4000, $0x38;
	[tilespmem:$0x10000] =	vst v63  }
0x51: {  	_ =	swait.ge [sflag:s21], $0x4000  }
0x52: {  	[sflag:s21] =	ssyncset.done $0x0  }
0x53: {  	s1 =	rddreg [dreg:$0x11];
	[sflag:s21] =	ssyncadd.s32 $0xFFFFC000  }
0x54: {  	[hbm4b:s1+s2] =	stream.linear.scatter [tilespmem:s13], [sflag:$0x6], $0x4000, $0x38;
	[tilespmem:$0x10000] =	vst v63  }
0x55: {  	_ =	swait.ge [sflag:s9], $0x4000  }
0x56: {  	[sflag:s9] =	ssyncset.done $0x0  }
0x57: {  	[sflag:s9] =	ssyncadd.s32 $0xFFFFC000  }
0x58: {  	[tilespmem:s13], [sflag:$0x2] =	stream.linear.gather [hbm4b:s31+s2], $0x4000, $0x38;
	[tilespmem:$0x10000] =	vst v63  }
0x59: {  	_ =	swait.ge [sflag:s18], $0x4000  }
0x5a: {  	[sflag:s18] =	ssyncset.done $0x0  }
0x5b: {  	[sflag:s18] =	ssyncadd.s32 $0xFFFFC000  }
0x5c: {  	[hbm4b:s30+s2] =	stream.linear.scatter [tilespmem:s11], [sflag:$0x7], $0x4000, $0x38;
	[tilespmem:$0x10000] =	vst v63  }
0x5d: {  	_ =	swait.ge [sflag:s8], $0x4000  }
0x5e: {  	[sflag:s8] =	ssyncset.done $0x0  }
0x5f: {  	[sflag:s8] =	ssyncadd.s32 $0xFFFFC000  }
0x60: {  	[tilespmem:s11], [sflag:$0x3] =	stream.linear.gather [hbm4b:s29+s2], $0x4000, $0x38;
	[tilespmem:$0x10000] =	vst v63  }
0x61: {  	_ =	swait.ge [sflag:s16], $0x4000  }
0x62: {  	[sflag:s16] =	ssyncset.done $0x0  }
0x63: {  	[sflag:s16] =	ssyncadd.s32 $0xFFFFC000  }
0x64: {  	[hbm4b:s28+s2] =	stream.linear.scatter [tilespmem:s7], [sflag:$0x8], $0x4000, $0x38;
	[tilespmem:$0x10000] =	vst v63  }
0x65: {  	_ =	swait.ge [sflag:s6], $0x4000  }
0x66: {  	[sflag:s6] =	ssyncset.done $0x0  }
0x67: {  	[sflag:s6] =	ssyncadd.s32 $0xFFFFC000  }
0x68: {  	[tilespmem:s7], [sflag:$0x4] =	stream.linear.gather [hbm4b:s26+s2], $0x4000, $0x38;
	[tilespmem:$0x10000] =	vst v63  }
0x69: {  	_ =	swait.ge [sflag:s19], $0x4000  }
0x6a: {  	[sflag:s19] =	ssyncset.done $0x0  }
0x6b: {  	[sflag:s19] =	ssyncadd.s32 $0xFFFFC000  }
0x6c: {  	[hbm4b:s25+s2] =	stream.linear.scatter [tilespmem:s2], [sflag:$0x5], $0x4000, $0x38;
	[tilespmem:$0x10000] =	vst v63  }
0x6d: {  	_ =	swait.ge [sflag:s5], $0x4000  }
0x6e: {  	[sflag:s5] =	ssyncset.done $0x0  }
0x6f: {  	[sflag:s5] =	ssyncadd.s32 $0xFFFFC000  }
0x70: {  	[tilespmem:s2], [sflag:$0x1] =	stream.linear.gather [hbm4b:s24+s2], $0x4000, $0x38;
	[tilespmem:$0x10000] =	vst v63  }
0x71: {  	_ =	swait.ge [sflag:s21], $0x4000  }
0x72: {  	[sflag:s21] =	ssyncset.done $0x0  }
0x73: {  	[sflag:s21] =	ssyncadd.s32 $0xFFFFC000  }
0x74: {  	[hbm4b:s23+s2] =	stream.linear.scatter [tilespmem:s13], [sflag:$0x6], $0x4000, $0x38;
	[tilespmem:$0x10000] =	vst v63  }
0x75: {  	_ =	swait.ge [sflag:s9], $0x4000  }
0x76: {  	[sflag:s9] =	ssyncset.done $0x0  }
0x77: {  	[sflag:s9] =	ssyncadd.s32 $0xFFFFC000  }
0x78: {  	[tilespmem:s13], [sflag:$0x2] =	stream.linear.gather [hbm4b:s22+s2], $0x4000, $0x38;
	[tilespmem:$0x10000] =	vst v63  }
0x79: {  	_ =	swait.ge [sflag:s18], $0x4000  }
0x7a: {  	[sflag:s18] =	ssyncset.done $0x0  }
0x7b: {  	[sflag:s18] =	ssyncadd.s32 $0xFFFFC000  }
0x7c: {  	[hbm4b:s20+s2] =	stream.linear.scatter [tilespmem:s11], [sflag:$0x7], $0x4000, $0x38;
	[tilespmem:$0x10000] =	vst v63  }
0x7d: {  	_ =	swait.ge [sflag:s8], $0x4000  }
0x7e: {  	[sflag:s8] =	ssyncset.done $0x0  }
0x7f: {  	[sflag:s8] =	ssyncadd.s32 $0xFFFFC000  }
0x80: {  	[tilespmem:s11], [sflag:$0x3] =	stream.linear.gather [hbm4b:s17+s2], $0x4000, $0x38;
	[tilespmem:$0x10000] =	vst v63  }
0x81: {  	_ =	swait.ge [sflag:s16], $0x4000  }
0x82: {  	[sflag:s16] =	ssyncset.done $0x0  }
0x83: {  	[sflag:s16] =	ssyncadd.s32 $0xFFFFC000  }
0x84: {  	[hbm4b:s15+s2] =	stream.linear.scatter [tilespmem:s7], [sflag:$0x8], $0x4000, $0x38;
	[tilespmem:$0x10000] =	vst v63  }
0x85: {  	_ =	swait.ge [sflag:s6], $0x4000  }
0x86: {  	[sflag:s6] =	ssyncset.done $0x0  }
0x87: {  	[sflag:s6] =	ssyncadd.s32 $0xFFFFC000  }
0x88: {  	[tilespmem:s7], [sflag:$0x4] =	stream.linear.gather [hbm4b:s14+s2], $0x4000, $0x38;
	[tilespmem:$0x10000] =	vst v63  }
0x89: {  	_ =	swait.ge [sflag:s19], $0x4000  }
0x8a: {  	[sflag:s19] =	ssyncset.done $0x0  }
0x8b: {  	[sflag:s19] =	ssyncadd.s32 $0xFFFFC000  }
0x8c: {  	[hbm4b:s12+s2] =	stream.linear.scatter [tilespmem:s2], [sflag:$0x5], $0x4000, $0x38;
	[tilespmem:$0x10000] =	vst v63  }
0x8d: {  	_ =	swait.ge [sflag:s21], $0x4000  }
0x8e: {  	[sflag:s21] =	ssyncset.done $0x0  }
0x8f: {  	[sflag:s21] =	ssyncadd.s32 $0xFFFFC000  }
0x90: {  	[hbm4b:s10+s2] =	stream.linear.scatter [tilespmem:s13], [sflag:$0x6], $0x4000, $0x38;
	[tilespmem:$0x10000] =	vst v63  }
0x91: {  	_ =	swait.ge [sflag:s18], $0x4000  }
0x92: {  	[sflag:s18] =	ssyncset.done $0x0  }
0x93: {  	[sflag:s18] =	ssyncadd.s32 $0xFFFFC000  }
0x94: {  	[hbm4b:s4+s2] =	stream.linear.scatter [tilespmem:s11], [sflag:$0x7], $0x4000, $0x38;
	[tilespmem:$0x10000] =	vst v63  }
0x95: {  	_ =	swait.ge [sflag:s16], $0x4000  }
0x96: {  	[sflag:s16] =	ssyncset.done $0x0  }
0x97: {  	[sflag:s16] =	ssyncadd.s32 $0xFFFFC000  }
0x98: {  	[hbm4b:s3+s2] =	stream.linear.scatter [tilespmem:s7], [sflag:$0x8], $0x4000, $0x38;
	[tilespmem:$0x10000] =	vst v63  }
0x99: {  	_ =	swait.ge [sflag:s5], $0x4000  }
0x9a: {  	[sflag:s5] =	ssyncset.done $0x0  }
0x9b: {  	[sflag:s5] =	ssyncadd.s32 $0xFFFFC000  }
0x9c: {  	_ =	swait.ge [sflag:s9], $0x4000  }
0x9d: {  	[sflag:s9] =	ssyncset.done $0x0  }
0x9e: {  	[sflag:s9] =	ssyncadd.s32 $0xFFFFC000  }
0x9f: {  	_ =	swait.ge [sflag:s8], $0x4000  }
0xa0: {  	s1 =	rddreg [dreg:$0x12]  }
0xa1: {  	p1 =	sne.s32 s1, $0x1  }
.Ltmp1:
0xa2: {  	_ = 	snop;
	(pc) =	sbr.rel @!p1 .LBB2_3-.Ltmp1, $4  }
0xa3: {  	[sflag:s8] =	ssyncset.done $0x0  }
0xa4: {  	[sflag:s8] =	ssyncadd.s32 $0xFFFFC000  }
0xa5: {  	p0 =	por $0x1, $0x1;
	_ =	swait.ge [sflag:s6], $0x4000  }
0xa6: {  	s0 =	sadd.s32 $0xFFFFFFFF, s1;
	s1 =	rddreg [dreg:$0x3];
	[sflag:s6] =	ssyncset.done $0x0  }
.LBB2_2:
0xa7: {  	[sflag:s6] =	ssyncadd.s32 $0xFFFFC000;
	s5 =	simm.s32 $0x4000  }
0xa8: {  	s7 =	smov.u32 s31;
	s31 =	smov.u32 s30;
	s30 =	smov.u32 s29  }
0xa9: {  	s29 =	smov.u32 s28;
	s28 =	smov.u32 s26;
	s26 =	smov.u32 s25  }
0xaa: {  	s25 =	smov.u32 s24;
	s24 =	smov.u32 s23;
	s23 =	smov.u32 s22  }
0xab: {  	s22 =	smov.u32 s20;
	s20 =	smov.u32 s17;
	s17 =	smov.u32 s15  }
0xac: {  	s15 =	smov.u32 s14;
	s14 =	smov.u32 s12;
	s12 =	smov.u32 s10  }
0xad: {  	[tilespmem:s2], [sflag:$0x1] =	stream.linear.gather [hbm4b:s1+s2], $0x4000, $0x38;
	[tilespmem:$0x10000] =	vst v63  }
0xae: {  	s10 =	smov.u32 s4;
	s4 =	smov.u32 s3;
	s3 =	rddreg [dreg:$0x4]  }
0xaf: {  	[tilespmem:s5], [sflag:$0x2] =	stream.linear.gather [hbm4b:s3+s2], $0x4000, $0x38;
	[tilespmem:$0x10000] =	vst v63  }
0xb0: {  	s13 =	simm.s32 $0x8000;
	s1 =	rddreg [dreg:$0x5]  }
0xb1: {  	[tilespmem:s13], [sflag:$0x3] =	stream.linear.gather [hbm4b:s1+s2], $0x4000, $0x38;
	[tilespmem:$0x10000] =	vst v63  }
0xb2: {  	s11 =	simm.s32 $0xC000;
	s3 =	rddreg [dreg:$0x6]  }
0xb3: {  	[tilespmem:s11], [sflag:$0x4] =	stream.linear.gather [hbm4b:s3+s2], $0x4000, $0x38;
	[tilespmem:$0x10000] =	vst v63  }
0xb4: {  	_ =	swait.ge [sflag:s19], $0x4000  }
0xb5: {  	[sflag:s19] =	ssyncset.done $0x0  }
0xb6: {  	s5 =	simm.s32 $0x5;
	s1 =	rddreg [dreg:$0x7];
	[sflag:s19] =	ssyncadd.s32 $0xFFFFC000  }
0xb7: {  	[hbm4b:s1+s2] =	stream.linear.scatter [tilespmem:s2], [sflag:$0x5], $0x4000, $0x38;
	[tilespmem:$0x10000] =	vst v63  }
0xb8: {  	_ =	swait.ge [sflag:s5], $0x4000  }
0xb9: {  	[sflag:s5] =	ssyncset.done $0x0  }
0xba: {  	s1 =	rddreg [dreg:$0x8];
	[sflag:s5] =	ssyncadd.s32 $0xFFFFC000  }
0xbb: {  	[tilespmem:s2], [sflag:$0x1] =	stream.linear.gather [hbm4b:s1+s2], $0x4000, $0x38;
	[tilespmem:$0x10000] =	vst v63  }
0xbc: {  	_ =	swait.ge [sflag:s21], $0x4000  }
0xbd: {  	[sflag:s21] =	ssyncset.done $0x0  }
0xbe: {  	s13 =	simm.s32 $0x4000;
	s1 =	rddreg [dreg:$0x9];
	[sflag:s21] =	ssyncadd.s32 $0xFFFFC000  }
0xbf: {  	[hbm4b:s1+s2] =	stream.linear.scatter [tilespmem:s13], [sflag:$0x6], $0x4000, $0x38;
	[tilespmem:$0x10000] =	vst v63  }
0xc0: {  	s11 =	simm.s32 $0x8000;
	_ =	swait.ge [sflag:s9], $0x4000  }
0xc1: {  	s3 =	smov.u32 s4;
	s4 =	smov.u32 s10;
	[sflag:s9] =	ssyncset.done $0x0  }
0xc2: {  	s10 =	smov.u32 s12;
	s1 =	rddreg [dreg:$0xa];
	[sflag:s9] =	ssyncadd.s32 $0xFFFFC000  }
0xc3: {  	[tilespmem:s13], [sflag:$0x2] =	stream.linear.gather [hbm4b:s1+s2], $0x4000, $0x38;
	[tilespmem:$0x10000] =	vst v63  }
0xc4: {  	s12 =	smov.u32 s14;
	s14 =	smov.u32 s15;
	_ =	swait.ge [sflag:s18], $0x4000  }
0xc5: {  	s15 =	smov.u32 s17;
	s17 =	smov.u32 s20;
	[sflag:s18] =	ssyncset.done $0x0  }
0xc6: {  	s20 =	smov.u32 s22;
	s1 =	rddreg [dreg:$0xb];
	[sflag:s18] =	ssyncadd.s32 $0xFFFFC000  }
0xc7: {  	[hbm4b:s1+s2] =	stream.linear.scatter [tilespmem:s11], [sflag:$0x7], $0x4000, $0x38;
	[tilespmem:$0x10000] =	vst v63  }
0xc8: {  	s22 =	smov.u32 s23;
	s23 =	smov.u32 s24;
	_ =	swait.ge [sflag:s8], $0x4000  }
0xc9: {  	s24 =	smov.u32 s25;
	s25 =	smov.u32 s26;
	[sflag:s8] =	ssyncset.done $0x0  }
0xca: {  	s26 =	smov.u32 s28;
	s1 =	rddreg [dreg:$0xc];
	[sflag:s8] =	ssyncadd.s32 $0xFFFFC000  }
0xcb: {  	[tilespmem:s11], [sflag:$0x3] =	stream.linear.gather [hbm4b:s1+s2], $0x4000, $0x38;
	[tilespmem:$0x10000] =	vst v63  }
0xcc: {  	s28 =	smov.u32 s29;
	s29 =	smov.u32 s30;
	_ =	swait.ge [sflag:s16], $0x4000  }
0xcd: {  	s30 =	smov.u32 s31;
	s31 =	smov.u32 s7;
	[sflag:s16] =	ssyncset.done $0x0  }
0xce: {  	s7 =	simm.s32 $0xC000;
	s1 =	rddreg [dreg:$0xd];
	[sflag:s16] =	ssyncadd.s32 $0xFFFFC000  }
0xcf: {  	[hbm4b:s1+s2] =	stream.linear.scatter [tilespmem:s7], [sflag:$0x8], $0x4000, $0x38;
	[tilespmem:$0x10000] =	vst v63  }
0xd0: {  	_ =	swait.ge [sflag:s6], $0x4000  }
0xd1: {  	[sflag:s6] =	ssyncset.done $0x0  }
0xd2: {  	s1 =	rddreg [dreg:$0xe];
	[sflag:s6] =	ssyncadd.s32 $0xFFFFC000  }
0xd3: {  	[tilespmem:s7], [sflag:$0x4] =	stream.linear.gather [hbm4b:s1+s2], $0x4000, $0x38;
	[tilespmem:$0x10000] =	vst v63  }
0xd4: {  	_ =	swait.ge [sflag:s19], $0x4000  }
0xd5: {  	[sflag:s19] =	ssyncset.done $0x0  }
0xd6: {  	s1 =	rddreg [dreg:$0xf];
	[sflag:s19] =	ssyncadd.s32 $0xFFFFC000  }
0xd7: {  	[hbm4b:s1+s2] =	stream.linear.scatter [tilespmem:s2], [sflag:$0x5], $0x4000, $0x38;
	[tilespmem:$0x10000] =	vst v63  }
0xd8: {  	_ =	swait.ge [sflag:s5], $0x4000  }
0xd9: {  	[sflag:s5] =	ssyncset.done $0x0  }
0xda: {  	s1 =	rddreg [dreg:$0x10];
	[sflag:s5] =	ssyncadd.s32 $0xFFFFC000  }
0xdb: {  	[tilespmem:s2], [sflag:$0x1] =	stream.linear.gather [hbm4b:s1+s2], $0x4000, $0x38;
	[tilespmem:$0x10000] =	vst v63  }
0xdc: {  	_ =	swait.ge [sflag:s21], $0x4000  }
0xdd: {  	[sflag:s21] =	ssyncset.done $0x0  }
0xde: {  	s1 =	rddreg [dreg:$0x11];
	[sflag:s21] =	ssyncadd.s32 $0xFFFFC000  }
0xdf: {  	[hbm4b:s1+s2] =	stream.linear.scatter [tilespmem:s13], [sflag:$0x6], $0x4000, $0x38;
	[tilespmem:$0x10000] =	vst v63  }
0xe0: {  	_ =	swait.ge [sflag:s9], $0x4000  }
0xe1: {  	[sflag:s9] =	ssyncset.done $0x0  }
0xe2: {  	[sflag:s9] =	ssyncadd.s32 $0xFFFFC000  }
0xe3: {  	[tilespmem:s13], [sflag:$0x2] =	stream.linear.gather [hbm4b:s31+s2], $0x4000, $0x38;
	[tilespmem:$0x10000] =	vst v63  }
0xe4: {  	_ =	swait.ge [sflag:s18], $0x4000  }
0xe5: {  	[sflag:s18] =	ssyncset.done $0x0  }
0xe6: {  	[sflag:s18] =	ssyncadd.s32 $0xFFFFC000  }
0xe7: {  	[hbm4b:s30+s2] =	stream.linear.scatter [tilespmem:s11], [sflag:$0x7], $0x4000, $0x38;
	[tilespmem:$0x10000] =	vst v63  }
0xe8: {  	_ =	swait.ge [sflag:s8], $0x4000  }
0xe9: {  	[sflag:s8] =	ssyncset.done $0x0  }
0xea: {  	[sflag:s8] =	ssyncadd.s32 $0xFFFFC000  }
0xeb: {  	[tilespmem:s11], [sflag:$0x3] =	stream.linear.gather [hbm4b:s29+s2], $0x4000, $0x38;
	[tilespmem:$0x10000] =	vst v63  }
0xec: {  	_ =	swait.ge [sflag:s16], $0x4000  }
0xed: {  	[sflag:s16] =	ssyncset.done $0x0  }
0xee: {  	[sflag:s16] =	ssyncadd.s32 $0xFFFFC000  }
0xef: {  	[hbm4b:s28+s2] =	stream.linear.scatter [tilespmem:s7], [sflag:$0x8], $0x4000, $0x38;
	[tilespmem:$0x10000] =	vst v63  }
0xf0: {  	_ =	swait.ge [sflag:s6], $0x4000  }
0xf1: {  	[sflag:s6] =	ssyncset.done $0x0  }
0xf2: {  	[sflag:s6] =	ssyncadd.s32 $0xFFFFC000  }
0xf3: {  	[tilespmem:s7], [sflag:$0x4] =	stream.linear.gather [hbm4b:s26+s2], $0x4000, $0x38;
	[tilespmem:$0x10000] =	vst v63  }
0xf4: {  	_ =	swait.ge [sflag:s19], $0x4000  }
0xf5: {  	[sflag:s19] =	ssyncset.done $0x0  }
0xf6: {  	[sflag:s19] =	ssyncadd.s32 $0xFFFFC000  }
0xf7: {  	[hbm4b:s25+s2] =	stream.linear.scatter [tilespmem:s2], [sflag:$0x5], $0x4000, $0x38;
	[tilespmem:$0x10000] =	vst v63  }
0xf8: {  	_ =	swait.ge [sflag:s5], $0x4000  }
0xf9: {  	[sflag:s5] =	ssyncset.done $0x0  }
0xfa: {  	[sflag:s5] =	ssyncadd.s32 $0xFFFFC000  }
0xfb: {  	[tilespmem:s2], [sflag:$0x1] =	stream.linear.gather [hbm4b:s24+s2], $0x4000, $0x38;
	[tilespmem:$0x10000] =	vst v63  }
0xfc: {  	_ =	swait.ge [sflag:s21], $0x4000  }
0xfd: {  	[sflag:s21] =	ssyncset.done $0x0  }
0xfe: {  	[sflag:s21] =	ssyncadd.s32 $0xFFFFC000  }
0xff: {  	[hbm4b:s23+s2] =	stream.linear.scatter [tilespmem:s13], [sflag:$0x6], $0x4000, $0x38;
	[tilespmem:$0x10000] =	vst v63  }
0x100: {  	_ =	swait.ge [sflag:s9], $0x4000  }
0x101: {  	[sflag:s9] =	ssyncset.done $0x0  }
0x102: {  	[sflag:s9] =	ssyncadd.s32 $0xFFFFC000  }
0x103: {  	[tilespmem:s13], [sflag:$0x2] =	stream.linear.gather [hbm4b:s22+s2], $0x4000, $0x38;
	[tilespmem:$0x10000] =	vst v63  }
0x104: {  	_ =	swait.ge [sflag:s18], $0x4000  }
0x105: {  	[sflag:s18] =	ssyncset.done $0x0  }
0x106: {  	[sflag:s18] =	ssyncadd.s32 $0xFFFFC000  }
0x107: {  	[hbm4b:s20+s2] =	stream.linear.scatter [tilespmem:s11], [sflag:$0x7], $0x4000, $0x38;
	[tilespmem:$0x10000] =	vst v63  }
0x108: {  	_ =	swait.ge [sflag:s8], $0x4000  }
0x109: {  	[sflag:s8] =	ssyncset.done $0x0  }
0x10a: {  	[sflag:s8] =	ssyncadd.s32 $0xFFFFC000  }
0x10b: {  	[tilespmem:s11], [sflag:$0x3] =	stream.linear.gather [hbm4b:s17+s2], $0x4000, $0x38;
	[tilespmem:$0x10000] =	vst v63  }
0x10c: {  	_ =	swait.ge [sflag:s16], $0x4000  }
0x10d: {  	[sflag:s16] =	ssyncset.done $0x0  }
0x10e: {  	[sflag:s16] =	ssyncadd.s32 $0xFFFFC000  }
0x10f: {  	[hbm4b:s15+s2] =	stream.linear.scatter [tilespmem:s7], [sflag:$0x8], $0x4000, $0x38;
	[tilespmem:$0x10000] =	vst v63  }
0x110: {  	_ =	swait.ge [sflag:s6], $0x4000  }
0x111: {  	[sflag:s6] =	ssyncset.done $0x0  }
0x112: {  	[sflag:s6] =	ssyncadd.s32 $0xFFFFC000  }
0x113: {  	[tilespmem:s7], [sflag:$0x4] =	stream.linear.gather [hbm4b:s14+s2], $0x4000, $0x38;
	[tilespmem:$0x10000] =	vst v63  }
0x114: {  	_ =	swait.ge [sflag:s19], $0x4000  }
0x115: {  	[sflag:s19] =	ssyncset.done $0x0  }
0x116: {  	[sflag:s19] =	ssyncadd.s32 $0xFFFFC000  }
0x117: {  	[hbm4b:s12+s2] =	stream.linear.scatter [tilespmem:s2], [sflag:$0x5], $0x4000, $0x38;
	[tilespmem:$0x10000] =	vst v63  }
0x118: {  	_ =	swait.ge [sflag:s21], $0x4000  }
0x119: {  	[sflag:s21] =	ssyncset.done $0x0  }
0x11a: {  	[sflag:s21] =	ssyncadd.s32 $0xFFFFC000  }
0x11b: {  	[hbm4b:s10+s2] =	stream.linear.scatter [tilespmem:s13], [sflag:$0x6], $0x4000, $0x38;
	[tilespmem:$0x10000] =	vst v63  }
0x11c: {  	_ =	swait.ge [sflag:s18], $0x4000  }
0x11d: {  	[sflag:s18] =	ssyncset.done $0x0  }
0x11e: {  	[sflag:s18] =	ssyncadd.s32 $0xFFFFC000  }
0x11f: {  	[hbm4b:s4+s2] =	stream.linear.scatter [tilespmem:s11], [sflag:$0x7], $0x4000, $0x38;
	[tilespmem:$0x10000] =	vst v63  }
0x120: {  	_ =	swait.ge [sflag:s16], $0x4000  }
0x121: {  	[sflag:s16] =	ssyncset.done $0x0  }
0x122: {  	[sflag:s16] =	ssyncadd.s32 $0xFFFFC000  }
0x123: {  	[hbm4b:s3+s2] =	stream.linear.scatter [tilespmem:s7], [sflag:$0x8], $0x4000, $0x38;
	[tilespmem:$0x10000] =	vst v63  }
0x124: {  	_ =	swait.ge [sflag:s5], $0x4000  }
0x125: {  	[sflag:s5] =	ssyncset.done $0x0  }
0x126: {  	[sflag:s5] =	ssyncadd.s32 $0xFFFFC000  }
0x127: {  	_ =	swait.ge [sflag:s9], $0x4000  }
0x128: {  	[sflag:s9] =	ssyncset.done $0x0  }
0x129: {  	p1 =	sne.s32 s0, $0x1;
	[sflag:s9] =	ssyncadd.s32 $0xFFFFC000  }
.Ltmp2:
0x12a: {  	_ =	swait.ge [sflag:s8], $0x4000;
	(pc) =	sbr.rel @p1 .LBB2_2-.Ltmp2, $4  }
0x12b: {  	[sflag:s8] =	ssyncset.done $0x0  }
0x12c: {  	[sflag:s8] =	ssyncadd.s32 $0xFFFFC000  }
0x12d: {  	_ =	swait.ge [sflag:s6], $0x4000  }
0x12e: {  	s0 =	sadd.s32 $0xFFFFFFFF, s0;
	s1 =	rddreg [dreg:$0x3];
	[sflag:s6] =	ssyncset.done $0x0  }
.LBB2_3:
0x12f: {  	[sflag:s6] =	ssyncadd.s32 @p0 $0xFFFFC000  }
0x130: {  	[tilespmem:s2], [sflag:$0x1] =	stream.linear.gather [hbm4b:s1+s2], $0x4000, $0x38;
	[tilespmem:$0x10000] =	vst v63  }
0x131: {  	s0 =	rddreg [dreg:$0x4]  }
0x132: {  	[tilespmem:s13], [sflag:$0x2] =	stream.linear.gather [hbm4b:s0+s2], $0x4000, $0x38;
	[tilespmem:$0x10000] =	vst v63  }
0x133: {  	s1 =	rddreg [dreg:$0x5]  }
0x134: {  	[tilespmem:s11], [sflag:$0x3] =	stream.linear.gather [hbm4b:s1+s2], $0x4000, $0x38;
	[tilespmem:$0x10000] =	vst v63  }
0x135: {  	s0 =	rddreg [dreg:$0x6]  }
0x136: {  	[tilespmem:s7], [sflag:$0x4] =	stream.linear.gather [hbm4b:s0+s2], $0x4000, $0x38;
	[tilespmem:$0x10000] =	vst v63  }
0x137: {  	_ =	swait.ge [sflag:s19], $0x4000  }
0x138: {  	[sflag:s19] =	ssyncset.done $0x0  }
0x139: {  	s1 =	rddreg [dreg:$0x7];
	[sflag:s19] =	ssyncadd.s32 $0xFFFFC000  }
0x13a: {  	[hbm4b:s1+s2] =	stream.linear.scatter [tilespmem:s2], [sflag:$0x5], $0x4000, $0x38;
	[tilespmem:$0x10000] =	vst v63  }
0x13b: {  	_ =	swait.ge [sflag:s5], $0x4000  }
0x13c: {  	[sflag:s5] =	ssyncset.done $0x0  }
0x13d: {  	s1 =	rddreg [dreg:$0x8];
	[sflag:s5] =	ssyncadd.s32 $0xFFFFC000  }
0x13e: {  	[tilespmem:s2], [sflag:$0x1] =	stream.linear.gather [hbm4b:s1+s2], $0x4000, $0x38;
	[tilespmem:$0x10000] =	vst v63  }
0x13f: {  	_ =	swait.ge [sflag:s21], $0x4000  }
0x140: {  	[sflag:s21] =	ssyncset.done $0x0  }
0x141: {  	s1 =	rddreg [dreg:$0x9];
	[sflag:s21] =	ssyncadd.s32 $0xFFFFC000  }
0x142: {  	[hbm4b:s1+s2] =	stream.linear.scatter [tilespmem:s13], [sflag:$0x6], $0x4000, $0x38;
	[tilespmem:$0x10000] =	vst v63  }
0x143: {  	_ =	swait.ge [sflag:s9], $0x4000  }
0x144: {  	[sflag:s9] =	ssyncset.done $0x0  }
0x145: {  	s1 =	rddreg [dreg:$0xa];
	[sflag:s9] =	ssyncadd.s32 $0xFFFFC000  }
0x146: {  	[tilespmem:s13], [sflag:$0x2] =	stream.linear.gather [hbm4b:s1+s2], $0x4000, $0x38;
	[tilespmem:$0x10000] =	vst v63  }
0x147: {  	_ =	swait.ge [sflag:s18], $0x4000  }
0x148: {  	[sflag:s18] =	ssyncset.done $0x0  }
0x149: {  	s1 =	rddreg [dreg:$0xb];
	[sflag:s18] =	ssyncadd.s32 $0xFFFFC000  }
0x14a: {  	[hbm4b:s1+s2] =	stream.linear.scatter [tilespmem:s11], [sflag:$0x7], $0x4000, $0x38;
	[tilespmem:$0x10000] =	vst v63  }
0x14b: {  	_ =	swait.ge [sflag:s8], $0x4000  }
0x14c: {  	[sflag:s8] =	ssyncset.done $0x0  }
0x14d: {  	s1 =	rddreg [dreg:$0xc];
	[sflag:s8] =	ssyncadd.s32 $0xFFFFC000  }
0x14e: {  	[tilespmem:s11], [sflag:$0x3] =	stream.linear.gather [hbm4b:s1+s2], $0x4000, $0x38;
	[tilespmem:$0x10000] =	vst v63  }
0x14f: {  	_ =	swait.ge [sflag:s16], $0x4000  }
0x150: {  	[sflag:s16] =	ssyncset.done $0x0  }
0x151: {  	s1 =	rddreg [dreg:$0xd];
	[sflag:s16] =	ssyncadd.s32 $0xFFFFC000  }
0x152: {  	[hbm4b:s1+s2] =	stream.linear.scatter [tilespmem:s7], [sflag:$0x8], $0x4000, $0x38;
	[tilespmem:$0x10000] =	vst v63  }
0x153: {  	_ =	swait.ge [sflag:s6], $0x4000  }
0x154: {  	[sflag:s6] =	ssyncset.done $0x0  }
0x155: {  	s1 =	rddreg [dreg:$0xe];
	[sflag:s6] =	ssyncadd.s32 $0xFFFFC000  }
0x156: {  	[tilespmem:s7], [sflag:$0x4] =	stream.linear.gather [hbm4b:s1+s2], $0x4000, $0x38;
	[tilespmem:$0x10000] =	vst v63  }
0x157: {  	_ =	swait.ge [sflag:s19], $0x4000  }
0x158: {  	[sflag:s19] =	ssyncset.done $0x0  }
0x159: {  	s1 =	rddreg [dreg:$0xf];
	[sflag:s19] =	ssyncadd.s32 $0xFFFFC000  }
0x15a: {  	[hbm4b:s1+s2] =	stream.linear.scatter [tilespmem:s2], [sflag:$0x5], $0x4000, $0x38;
	[tilespmem:$0x10000] =	vst v63  }
0x15b: {  	_ =	swait.ge [sflag:s5], $0x4000  }
0x15c: {  	[sflag:s5] =	ssyncset.done $0x0  }
0x15d: {  	s1 =	rddreg [dreg:$0x10];
	[sflag:s5] =	ssyncadd.s32 $0xFFFFC000  }
0x15e: {  	[tilespmem:s2], [sflag:$0x1] =	stream.linear.gather [hbm4b:s1+s2], $0x4000, $0x38;
	[tilespmem:$0x10000] =	vst v63  }
0x15f: {  	_ =	swait.ge [sflag:s21], $0x4000  }
0x160: {  	[sflag:s21] =	ssyncset.done $0x0  }
0x161: {  	s1 =	rddreg [dreg:$0x11];
	[sflag:s21] =	ssyncadd.s32 $0xFFFFC000  }
0x162: {  	[hbm4b:s1+s2] =	stream.linear.scatter [tilespmem:s13], [sflag:$0x6], $0x4000, $0x38;
	[tilespmem:$0x10000] =	vst v63  }
0x163: {  	_ =	swait.ge [sflag:s9], $0x4000  }
0x164: {  	[sflag:s9] =	ssyncset.done $0x0  }
0x165: {  	[sflag:s9] =	ssyncadd.s32 $0xFFFFC000  }
0x166: {  	[tilespmem:s13], [sflag:$0x2] =	stream.linear.gather [hbm4b:s31+s2], $0x4000, $0x38;
	[tilespmem:$0x10000] =	vst v63  }
0x167: {  	_ =	swait.ge [sflag:s18], $0x4000  }
0x168: {  	[sflag:s18] =	ssyncset.done $0x0  }
0x169: {  	[sflag:s18] =	ssyncadd.s32 $0xFFFFC000  }
0x16a: {  	[hbm4b:s30+s2] =	stream.linear.scatter [tilespmem:s11], [sflag:$0x7], $0x4000, $0x38;
	[tilespmem:$0x10000] =	vst v63  }
0x16b: {  	_ =	swait.ge [sflag:s8], $0x4000  }
0x16c: {  	[sflag:s8] =	ssyncset.done $0x0  }
0x16d: {  	[sflag:s8] =	ssyncadd.s32 $0xFFFFC000  }
0x16e: {  	[tilespmem:s11], [sflag:$0x3] =	stream.linear.gather [hbm4b:s29+s2], $0x4000, $0x38;
	[tilespmem:$0x10000] =	vst v63  }
0x16f: {  	_ =	swait.ge [sflag:s16], $0x4000  }
0x170: {  	[sflag:s16] =	ssyncset.done $0x0  }
0x171: {  	[sflag:s16] =	ssyncadd.s32 $0xFFFFC000  }
0x172: {  	[hbm4b:s28+s2] =	stream.linear.scatter [tilespmem:s7], [sflag:$0x8], $0x4000, $0x38;
	[tilespmem:$0x10000] =	vst v63  }
0x173: {  	_ =	swait.ge [sflag:s6], $0x4000  }
0x174: {  	[sflag:s6] =	ssyncset.done $0x0  }
0x175: {  	[sflag:s6] =	ssyncadd.s32 $0xFFFFC000  }
0x176: {  	[tilespmem:s7], [sflag:$0x4] =	stream.linear.gather [hbm4b:s26+s2], $0x4000, $0x38;
	[tilespmem:$0x10000] =	vst v63  }
0x177: {  	_ =	swait.ge [sflag:s19], $0x4000  }
0x178: {  	[sflag:s19] =	ssyncset.done $0x0  }
0x179: {  	[sflag:s19] =	ssyncadd.s32 $0xFFFFC000  }
0x17a: {  	[hbm4b:s25+s2] =	stream.linear.scatter [tilespmem:s2], [sflag:$0x5], $0x4000, $0x38;
	[tilespmem:$0x10000] =	vst v63  }
0x17b: {  	_ =	swait.ge [sflag:s5], $0x4000  }
0x17c: {  	[sflag:s5] =	ssyncset.done $0x0  }
0x17d: {  	[sflag:s5] =	ssyncadd.s32 $0xFFFFC000  }
0x17e: {  	[tilespmem:s2], [sflag:$0x1] =	stream.linear.gather [hbm4b:s24+s2], $0x4000, $0x38;
	[tilespmem:$0x10000] =	vst v63  }
0x17f: {  	_ =	swait.ge [sflag:s21], $0x4000  }
0x180: {  	[sflag:s21] =	ssyncset.done $0x0  }
0x181: {  	[sflag:s21] =	ssyncadd.s32 $0xFFFFC000  }
0x182: {  	[hbm4b:s23+s2] =	stream.linear.scatter [tilespmem:s13], [sflag:$0x6], $0x4000, $0x38;
	[tilespmem:$0x10000] =	vst v63  }
0x183: {  	_ =	swait.ge [sflag:s9], $0x4000  }
0x184: {  	[sflag:s9] =	ssyncset.done $0x0  }
0x185: {  	[sflag:s9] =	ssyncadd.s32 $0xFFFFC000  }
0x186: {  	[tilespmem:s13], [sflag:$0x2] =	stream.linear.gather [hbm4b:s22+s2], $0x4000, $0x38;
	[tilespmem:$0x10000] =	vst v63  }
0x187: {  	_ =	swait.ge [sflag:s18], $0x4000  }
0x188: {  	[sflag:s18] =	ssyncset.done $0x0  }
0x189: {  	[sflag:s18] =	ssyncadd.s32 $0xFFFFC000  }
0x18a: {  	[hbm4b:s20+s2] =	stream.linear.scatter [tilespmem:s11], [sflag:$0x7], $0x4000, $0x38;
	[tilespmem:$0x10000] =	vst v63  }
0x18b: {  	_ =	swait.ge [sflag:s8], $0x4000  }
0x18c: {  	[sflag:s8] =	ssyncset.done $0x0  }
0x18d: {  	[sflag:s8] =	ssyncadd.s32 $0xFFFFC000  }
0x18e: {  	[tilespmem:s11], [sflag:$0x3] =	stream.linear.gather [hbm4b:s17+s2], $0x4000, $0x38;
	[tilespmem:$0x10000] =	vst v63  }
0x18f: {  	_ =	swait.ge [sflag:s16], $0x4000  }
0x190: {  	[sflag:s16] =	ssyncset.done $0x0  }
0x191: {  	[sflag:s16] =	ssyncadd.s32 $0xFFFFC000  }
0x192: {  	[hbm4b:s15+s2] =	stream.linear.scatter [tilespmem:s7], [sflag:$0x8], $0x4000, $0x38;
	[tilespmem:$0x10000] =	vst v63  }
0x193: {  	_ =	swait.ge [sflag:s6], $0x4000  }
0x194: {  	[sflag:s6] =	ssyncset.done $0x0  }
0x195: {  	[sflag:s6] =	ssyncadd.s32 $0xFFFFC000  }
0x196: {  	[tilespmem:s7], [sflag:$0x4] =	stream.linear.gather [hbm4b:s14+s2], $0x4000, $0x38;
	[tilespmem:$0x10000] =	vst v63  }
0x197: {  	_ =	swait.ge [sflag:s19], $0x4000  }
0x198: {  	[sflag:s19] =	ssyncset.done $0x0  }
0x199: {  	[sflag:s19] =	ssyncadd.s32 $0xFFFFC000  }
0x19a: {  	[hbm4b:s12+s2] =	stream.linear.scatter [tilespmem:s2], [sflag:$0x5], $0x4000, $0x38;
	[tilespmem:$0x10000] =	vst v63  }
0x19b: {  	_ =	swait.ge [sflag:s21], $0x4000  }
0x19c: {  	[sflag:s21] =	ssyncset.done $0x0  }
0x19d: {  	[sflag:s21] =	ssyncadd.s32 $0xFFFFC000  }
0x19e: {  	[hbm4b:s10+s2] =	stream.linear.scatter [tilespmem:s13], [sflag:$0x6], $0x4000, $0x38;
	[tilespmem:$0x10000] =	vst v63  }
0x19f: {  	_ =	swait.ge [sflag:s18], $0x4000  }
0x1a0: {  	[sflag:s18] =	ssyncset.done $0x0  }
0x1a1: {  	[sflag:s18] =	ssyncadd.s32 $0xFFFFC000  }
0x1a2: {  	[hbm4b:s4+s2] =	stream.linear.scatter [tilespmem:s11], [sflag:$0x7], $0x4000, $0x38;
	[tilespmem:$0x10000] =	vst v63  }
0x1a3: {  	_ =	swait.ge [sflag:s16], $0x4000  }
0x1a4: {  	[sflag:s16] =	ssyncset.done $0x0  }
0x1a5: {  	[sflag:s16] =	ssyncadd.s32 $0xFFFFC000  }
0x1a6: {  	[hbm4b:s3+s2] =	stream.linear.scatter [tilespmem:s7], [sflag:$0x8], $0x4000, $0x38;
	[tilespmem:$0x10000] =	vst v63  }
0x1a7: {  	_ =	swait.ge [sflag:s5], $0x4000  }
0x1a8: {  	[sflag:s5] =	ssyncset.done $0x0  }
0x1a9: {  	[sflag:s5] =	ssyncadd.s32 $0xFFFFC000  }
0x1aa: {  	_ =	swait.ge [sflag:s9], $0x4000  }
0x1ab: {  	[sflag:s9] =	ssyncset.done $0x0  }
0x1ac: {  	[sflag:s9] =	ssyncadd.s32 $0xFFFFC000  }
0x1ad: {  	_ =	swait.ge [sflag:s8], $0x4000  }
0x1ae: {  	[sflag:s8] =	ssyncset.done $0x0  }
0x1af: {  	[sflag:s8] =	ssyncadd.s32 $0xFFFFC000  }
0x1b0: {  	_ =	swait.ge [sflag:s6], $0x4000  }
0x1b1: {  	[sflag:s6] =	ssyncset.done $0x0  }
0x1b2: {  	[sflag:s6] =	ssyncadd.s32 $0xFFFFC000  }
0x1b3: {  	_ =	sfence.sel $0x180000  }
0x1b4: {  	[bflag:$0x0] =	sbarrier.arrive $0xFFFF  }
0x1b5: {  	_ =	strace $0x90000047  }
0x1b6: {  	s31 =	stileid.u32;
	[bflag:$0x2] =	sbarrier.arrive $0xFFFF  }
0x1b7: {  	p0 =	sne.s32 s31, $0x0;
	s0 =	rddreg [dreg:$0x2]  }
0x1b8: {  	s0 =	sadd.s32 @!p0 $0x100000, s0  }
0x1b9: {  	[sflag:s0] =	ssyncadd.tile.s32 @!p0 $0x1;
	_ =	shalt  }
.Lfunc_end2:
_tile_overlayer_lowered:
.L_overlay_start_2:
0x1ba: {  	(tag) =	ssettag $0x2  }
0x1bb: {  	s0 =	rddreg [dreg:$0x0];
	s2 =	stileid.u32  }
0x1bc: {  	s1 =	rddreg [dreg:$0x1];
	p0 =	sne.s32 s2, $0x0  }
0x1bd: {  	s3 =	rddreg [dreg:$0x2];
	[bflag:$0x3] =	sbarrier.arrive $0xFFFF;
	s2 =	simm.s32 @!p0 $0x1C09  }
0x1be: {  	[timem:s3], [sflag:s2] =	dma.local @!p0 [hbm:s0], s1  }
0x1bf: {  	s0 =	simm.s32 @!p0 $0x9  }
0x1c0: {  	_ =	swait.ge @!p0 [sflag:s0], s1  }
0x1c1: {  	s1 =	ssub.s32 @!p0 $0x0, s1;
	[sflag:s0] =	ssyncset.done @!p0 $0x0  }
0x1c2: {  	[sflag:s0] =	ssyncadd.s32 @!p0 s1  }
0x1c3: {  	[bflag:$0x3] =	sbarrier.arrive $0xFFFF  }
0x1c4: {  	_ =	shalt  }

</sc_bundles>
